<compile_context>
chip_gen: v7x
topology: tpu7x:2x2x1
jax: 0.10.2.dev20260603
libtpu: 0.0.44.dev20260713+nightly
codegen_flags: <defaults>
</compile_context>

<pallas_src>
import functools

import jax
import jax.numpy as jnp
from jax import lax
from jax.experimental import pallas as pl
from jax.experimental.pallas import tpu as pltpu
from jax.experimental.pallas import tpu_sc as plsc

_LANES = 16
_NUM_SUBCORES = 16
_NBUF = 5


@functools.lru_cache(maxsize=None)
def _build(n_nodes, n_pins):
    pins_per_tile = n_pins // _NUM_SUBCORES
    chunk = 2000
    num_chunks = pins_per_tile // chunk
    assert pins_per_tile % chunk == 0 and chunk % _LANES == 0
    assert num_chunks % _NBUF == 0
    rounds = num_chunks // _NBUF

    mesh = plsc.VectorSubcoreMesh(core_axis_name="c", subcore_axis_name="s")

    scratch = [pltpu.VMEM((n_nodes,), jnp.float32)]
    for _ in range(_NBUF):
        scratch += [
            pltpu.VMEM((chunk,), jnp.int32),
            pltpu.VMEM((chunk,), jnp.float32),
            pltpu.VMEM((chunk,), jnp.float32),
        ]
    scratch += [pltpu.SemaphoreType.DMA] * (1 + 2 * _NBUF)

    @functools.partial(
        pl.kernel,
        mesh=mesh,
        out_type=jax.ShapeDtypeStruct((2 * n_pins,), jnp.float32),
        compiler_params=pltpu.CompilerParams(needs_layout_passes=False),
        scratch_types=scratch,
    )
    def pin_pos(pos_hbm, offx_hbm, offy_hbm, p2n_hbm, out_hbm, table_v, *rest):
        bufs = rest[:3 * _NBUF]
        sems = rest[3 * _NBUF:]
        sem_t = sems[0]
        slots = tuple(
            (bufs[3 * b], bufs[3 * b + 1], bufs[3 * b + 2],
             sems[1 + 2 * b], sems[2 + 2 * b])
            for b in range(_NBUF))

        cid = lax.axis_index("c")
        sid = lax.axis_index("s")
        base0 = sid * pins_per_tile

        def do_coord(table_base, off_hbm, out_base):
            tcp = pltpu.async_copy(
                pos_hbm.at[pl.ds(table_base, n_nodes)], table_v, sem_t)

            def start_in(j, idxb, offb, sib):
                b = base0 + j * chunk
                pltpu.async_copy(p2n_hbm.at[pl.ds(b, chunk)], idxb, sib)
                pltpu.async_copy(off_hbm.at[pl.ds(b, chunk)], offb, sib)

            def wait_in(j, idxb, offb, sib):
                b = base0 + j * chunk
                pltpu.make_async_copy(
                    p2n_hbm.at[pl.ds(b, chunk)], idxb, sib).wait()
                pltpu.make_async_copy(
                    off_hbm.at[pl.ds(b, chunk)], offb, sib).wait()

            for b_i, (idxb, offb, resb, sib, sob) in enumerate(slots):
                start_in(b_i, idxb, offb, sib)
            tcp.wait()

            def body(g, _):
                for b_i, (idxb, offb, resb, sib, sob) in enumerate(slots):
                    j = g * _NBUF + b_i
                    wait_in(j, idxb, offb, sib)

                    @pl.when(g > 0)
                    def _():
                        pltpu.make_async_copy(
                            resb,
                            out_hbm.at[pl.ds(
                                out_base + base0 + (j - _NBUF) * chunk, chunk)],
                            sob).wait()

                    @plsc.parallel_loop(0, chunk, _LANES, unroll=8)
                    def _(i):
                        sl = pl.ds(i, _LANES)
                        resb[sl] = offb[sl] + plsc.load_gather(
                            table_v, [idxb[sl]])

                    pltpu.async_copy(
                        resb,
                        out_hbm.at[pl.ds(out_base + base0 + j * chunk, chunk)],
                        sob)

                    @pl.when(g < rounds - 1)
                    def _():
                        start_in(j + _NBUF, idxb, offb, sib)
                return 0

            lax.fori_loop(0, rounds, body, 0)

            for b_i, (idxb, offb, resb, sib, sob) in enumerate(slots):
                j = num_chunks - _NBUF + b_i
                pltpu.make_async_copy(
                    resb,
                    out_hbm.at[pl.ds(out_base + base0 + j * chunk, chunk)],
                    sob).wait()

        @pl.when(cid == 0)
        def _():
            do_coord(0, offx_hbm, 0)

        @pl.when(cid == 1)
        def _():
            do_coord(n_nodes, offy_hbm, n_pins)

    return pin_pos


def kernel(pos, pin_offset_x, pin_offset_y, pin2node_map, flat_node2pin_map,
           flat_node2pin_start_map, num_physical_nodes):
    n_pins = pin2node_map.shape[0]
    n_nodes = pos.shape[0] // 2
    return _build(n_nodes, n_pins)(pos, pin_offset_x, pin_offset_y, pin2node_map)

# --- scband reference (transcript-rebuilt; emitter-appended) ---
"""Pipeline reference for scband-pin-pos-62105227100583 (READ-ONLY COPY).

The authoritative reference and input builder live on the scoring server;
editing this copy changes nothing except your own understanding.
"""

import jax, jax.numpy as jnp
import numpy as np

N_NODES = 100000
N_PINS = 3200000


def setup_inputs(seed: int = 0) -> dict:
    key = jax.random.key(seed)
    k1, k2, k3, k4 = jax.random.split(key, 4)
    # cell locations: x coords of all nodes, then y coords of all nodes
    pos = jax.random.normal(k1, (2 * N_NODES,), dtype=jnp.float32) * 100.0
    pin_offset_x = jax.random.uniform(k2, (N_PINS,), dtype=jnp.float32) * 4.0
    pin_offset_y = jax.random.uniform(k3, (N_PINS,), dtype=jnp.float32) * 4.0
    # pins grouped (sorted) by owning node, as in a flattened netlist
    pin2node_map = jnp.sort(jax.random.randint(k4, (N_PINS,), 0, N_NODES, dtype=jnp.int32))
    # consistent CSR-style node->pin maps
    flat_node2pin_map = jnp.arange(N_PINS, dtype=jnp.int32)
    flat_node2pin_start_map = jnp.searchsorted(pin2node_map, jnp.arange(N_NODES + 1, dtype=jnp.int32)).astype(jnp.int32)
    return {
        "pos": pos,
        "pin_offset_x": pin_offset_x,
        "pin_offset_y": pin_offset_y,
        "pin2node_map": pin2node_map,
        "flat_node2pin_map": flat_node2pin_map,
        "flat_node2pin_start_map": flat_node2pin_start_map,
        "num_physical_nodes": N_NODES,
    }


def reference(pos, pin_offset_x, pin_offset_y, pin2node_map, flat_node2pin_map, flat_node2pin_start_map, num_physical_nodes):
    # Faithful translation of pin_pos forward:
    #   pin_x[i] = pos_x[pin2node_map[i]] + pin_offset_x[i]
    #   pin_y[i] = pos_y[pin2node_map[i]] + pin_offset_y[i]
    # output layout matches pos layout: all pin x coords, then all pin y coords
    pos_flat = pos.reshape(-1)
    num_nodes = pos_flat.shape[0] // 2
    pos_x = pos_flat[:num_nodes]
    pos_y = pos_flat[num_nodes:]
    pin_x = jnp.take(pos_x, pin2node_map, axis=0) + pin_offset_x
    pin_y = jnp.take(pos_y, pin2node_map, axis=0) + pin_offset_y
    return jnp.concatenate([pin_x, pin_y], axis=0)

if __name__ == "__main__":
    import jax
    _d = setup_inputs()
    print(jax.jit(kernel)(*tuple(_d.values())))

</pallas_src>

<mosaic_0001>
#map = affine_map<(d0, d1) -> (0)>
module attributes {stable_mosaic.version = 14 : i64} {
  func.func @pin_pos(%arg0: i32, %arg1: i32, %arg2: memref<200000xf32, #tpu.memory_space<hbm>>, %arg3: memref<3200000xf32, #tpu.memory_space<hbm>>, %arg4: memref<3200000xf32, #tpu.memory_space<hbm>>, %arg5: memref<3200000xi32, #tpu.memory_space<hbm>>, %arg6: memref<6400000xf32, #tpu.memory_space<hbm>>, %arg7: memref<100000xf32, #tpu.memory_space<vmem>>, %arg8: memref<2000xi32, #tpu.memory_space<vmem>>, %arg9: memref<2000xf32, #tpu.memory_space<vmem>>, %arg10: memref<2000xf32, #tpu.memory_space<vmem>>, %arg11: memref<2000xi32, #tpu.memory_space<vmem>>, %arg12: memref<2000xf32, #tpu.memory_space<vmem>>, %arg13: memref<2000xf32, #tpu.memory_space<vmem>>, %arg14: memref<2000xi32, #tpu.memory_space<vmem>>, %arg15: memref<2000xf32, #tpu.memory_space<vmem>>, %arg16: memref<2000xf32, #tpu.memory_space<vmem>>, %arg17: memref<2000xi32, #tpu.memory_space<vmem>>, %arg18: memref<2000xf32, #tpu.memory_space<vmem>>, %arg19: memref<2000xf32, #tpu.memory_space<vmem>>, %arg20: memref<2000xi32, #tpu.memory_space<vmem>>, %arg21: memref<2000xf32, #tpu.memory_space<vmem>>, %arg22: memref<2000xf32, #tpu.memory_space<vmem>>, %arg23: memref<!tpu.dma_semaphore, #tpu.memory_space<semaphore_mem>>, %arg24: memref<!tpu.dma_semaphore, #tpu.memory_space<semaphore_mem>>, %arg25: memref<!tpu.dma_semaphore, #tpu.memory_space<semaphore_mem>>, %arg26: memref<!tpu.dma_semaphore, #tpu.memory_space<semaphore_mem>>, %arg27: memref<!tpu.dma_semaphore, #tpu.memory_space<semaphore_mem>>, %arg28: memref<!tpu.dma_semaphore, #tpu.memory_space<semaphore_mem>>, %arg29: memref<!tpu.dma_semaphore, #tpu.memory_space<semaphore_mem>>, %arg30: memref<!tpu.dma_semaphore, #tpu.memory_space<semaphore_mem>>, %arg31: memref<!tpu.dma_semaphore, #tpu.memory_space<semaphore_mem>>, %arg32: memref<!tpu.dma_semaphore, #tpu.memory_space<semaphore_mem>>, %arg33: memref<!tpu.dma_semaphore, #tpu.memory_space<semaphore_mem>>) attributes {dimension_semantics = [#tpu.dimension_semantics<core_parallel>, #tpu.dimension_semantics<subcore_parallel>], iteration_bounds = array<i64: 2, 16>, scalar_prefetch = 0 : i64, scratch_operands = 27 : i64, tpu.core_type = #tpu.core_type<sc_vector_subcore>, window_params = [{transform_indices = #map}, {transform_indices = #map}, {transform_indices = #map}, {transform_indices = #map}, {transform_indices = #map}]} {
    %mul3A = arith.constant 200000 : i32
    %mul3A_0 = arith.muli %arg1, %mul3A : i32
    %eq3A = arith.constant 0 : i32
    %eq3A_1 = arith.cmpi eq, %arg0, %eq3A : i32
    %convert_element_type3A = arith.extui %eq3A_1 : i1 to i32
    %cond3A = arith.constant 0 : i32
    %cond3A_2 = arith.cmpi ne, %convert_element_type3A, %cond3A : i32
    scf.if %cond3A_2 {
      %dma_start3A = arith.constant 0 : i32
      %dma_start3A_8 = tpu.memref_slice %arg2[%dma_start3A] : memref<200000xf32, #tpu.memory_space<hbm>> -> memref<100000xf32, #tpu.memory_space<hbm>>
      %dma_start3A_9 = arith.constant 0 : i32
      %dma_start3A_10 = tpu.memref_slice %arg2[%dma_start3A_9] : memref<200000xf32, #tpu.memory_space<hbm>> -> memref<100000xf32, #tpu.memory_space<hbm>>
      tpu.enqueue_dma source(%dma_start3A_10 : memref<100000xf32, #tpu.memory_space<hbm>>) target(%arg7 : memref<100000xf32, #tpu.memory_space<vmem>>) target_semaphore(%arg23 : memref<!tpu.dma_semaphore, #tpu.memory_space<semaphore_mem>>)
      %add3A = arith.constant 0 : i32
      %add3A_11 = arith.addi %mul3A_0, %add3A : i32
      %dma_start3A_12 = tpu.memref_slice %arg5[%add3A_11] : memref<3200000xi32, #tpu.memory_space<hbm>> -> memref<2000xi32, #tpu.memory_space<hbm>>
      %dma_start3A_13 = tpu.memref_slice %arg5[%add3A_11] : memref<3200000xi32, #tpu.memory_space<hbm>> -> memref<2000xi32, #tpu.memory_space<hbm>>
      tpu.enqueue_dma source(%dma_start3A_13 : memref<2000xi32, #tpu.memory_space<hbm>>) target(%arg8 : memref<2000xi32, #tpu.memory_space<vmem>>) target_semaphore(%arg24 : memref<!tpu.dma_semaphore, #tpu.memory_space<semaphore_mem>>)
      %dma_start3A_14 = tpu.memref_slice %arg3[%add3A_11] : memref<3200000xf32, #tpu.memory_space<hbm>> -> memref<2000xf32, #tpu.memory_space<hbm>>
      %dma_start3A_15 = tpu.memref_slice %arg3[%add3A_11] : memref<3200000xf32, #tpu.memory_space<hbm>> -> memref<2000xf32, #tpu.memory_space<hbm>>
      tpu.enqueue_dma source(%dma_start3A_15 : memref<2000xf32, #tpu.memory_space<hbm>>) target(%arg9 : memref<2000xf32, #tpu.memory_space<vmem>>) target_semaphore(%arg24 : memref<!tpu.dma_semaphore, #tpu.memory_space<semaphore_mem>>)
      %add3A_16 = arith.constant 2000 : i32
      %add3A_17 = arith.addi %mul3A_0, %add3A_16 : i32
      %dma_start3A_18 = tpu.memref_slice %arg5[%add3A_17] : memref<3200000xi32, #tpu.memory_space<hbm>> -> memref<2000xi32, #tpu.memory_space<hbm>>
      %dma_start3A_19 = tpu.memref_slice %arg5[%add3A_17] : memref<3200000xi32, #tpu.memory_space<hbm>> -> memref<2000xi32, #tpu.memory_space<hbm>>
      tpu.enqueue_dma source(%dma_start3A_19 : memref<2000xi32, #tpu.memory_space<hbm>>) target(%arg11 : memref<2000xi32, #tpu.memory_space<vmem>>) target_semaphore(%arg26 : memref<!tpu.dma_semaphore, #tpu.memory_space<semaphore_mem>>)
      %dma_start3A_20 = tpu.memref_slice %arg3[%add3A_17] : memref<3200000xf32, #tpu.memory_space<hbm>> -> memref<2000xf32, #tpu.memory_space<hbm>>
      %dma_start3A_21 = tpu.memref_slice %arg3[%add3A_17] : memref<3200000xf32, #tpu.memory_space<hbm>> -> memref<2000xf32, #tpu.memory_space<hbm>>
      tpu.enqueue_dma source(%dma_start3A_21 : memref<2000xf32, #tpu.memory_space<hbm>>) target(%arg12 : memref<2000xf32, #tpu.memory_space<vmem>>) target_semaphore(%arg26 : memref<!tpu.dma_semaphore, #tpu.memory_space<semaphore_mem>>)
      %add3A_22 = arith.constant 4000 : i32
      %add3A_23 = arith.addi %mul3A_0, %add3A_22 : i32
      %dma_start3A_24 = tpu.memref_slice %arg5[%add3A_23] : memref<3200000xi32, #tpu.memory_space<hbm>> -> memref<2000xi32, #tpu.memory_space<hbm>>
      %dma_start3A_25 = tpu.memref_slice %arg5[%add3A_23] : memref<3200000xi32, #tpu.memory_space<hbm>> -> memref<2000xi32, #tpu.memory_space<hbm>>
      tpu.enqueue_dma source(%dma_start3A_25 : memref<2000xi32, #tpu.memory_space<hbm>>) target(%arg14 : memref<2000xi32, #tpu.memory_space<vmem>>) target_semaphore(%arg28 : memref<!tpu.dma_semaphore, #tpu.memory_space<semaphore_mem>>)
      %dma_start3A_26 = tpu.memref_slice %arg3[%add3A_23] : memref<3200000xf32, #tpu.memory_space<hbm>> -> memref<2000xf32, #tpu.memory_space<hbm>>
      %dma_start3A_27 = tpu.memref_slice %arg3[%add3A_23] : memref<3200000xf32, #tpu.memory_space<hbm>> -> memref<2000xf32, #tpu.memory_space<hbm>>
      tpu.enqueue_dma source(%dma_start3A_27 : memref<2000xf32, #tpu.memory_space<hbm>>) target(%arg15 : memref<2000xf32, #tpu.memory_space<vmem>>) target_semaphore(%arg28 : memref<!tpu.dma_semaphore, #tpu.memory_space<semaphore_mem>>)
      %add3A_28 = arith.constant 6000 : i32
      %add3A_29 = arith.addi %mul3A_0, %add3A_28 : i32
      %dma_start3A_30 = tpu.memref_slice %arg5[%add3A_29] : memref<3200000xi32, #tpu.memory_space<hbm>> -> memref<2000xi32, #tpu.memory_space<hbm>>
      %dma_start3A_31 = tpu.memref_slice %arg5[%add3A_29] : memref<3200000xi32, #tpu.memory_space<hbm>> -> memref<2000xi32, #tpu.memory_space<hbm>>
      tpu.enqueue_dma source(%dma_start3A_31 : memref<2000xi32, #tpu.memory_space<hbm>>) target(%arg17 : memref<2000xi32, #tpu.memory_space<vmem>>) target_semaphore(%arg30 : memref<!tpu.dma_semaphore, #tpu.memory_space<semaphore_mem>>)
      %dma_start3A_32 = tpu.memref_slice %arg3[%add3A_29] : memref<3200000xf32, #tpu.memory_space<hbm>> -> memref<2000xf32, #tpu.memory_space<hbm>>
      %dma_start3A_33 = tpu.memref_slice %arg3[%add3A_29] : memref<3200000xf32, #tpu.memory_space<hbm>> -> memref<2000xf32, #tpu.memory_space<hbm>>
      tpu.enqueue_dma source(%dma_start3A_33 : memref<2000xf32, #tpu.memory_space<hbm>>) target(%arg18 : memref<2000xf32, #tpu.memory_space<vmem>>) target_semaphore(%arg30 : memref<!tpu.dma_semaphore, #tpu.memory_space<semaphore_mem>>)
      %add3A_34 = arith.constant 8000 : i32
      %add3A_35 = arith.addi %mul3A_0, %add3A_34 : i32
      %dma_start3A_36 = tpu.memref_slice %arg5[%add3A_35] : memref<3200000xi32, #tpu.memory_space<hbm>> -> memref<2000xi32, #tpu.memory_space<hbm>>
      %dma_start3A_37 = tpu.memref_slice %arg5[%add3A_35] : memref<3200000xi32, #tpu.memory_space<hbm>> -> memref<2000xi32, #tpu.memory_space<hbm>>
      tpu.enqueue_dma source(%dma_start3A_37 : memref<2000xi32, #tpu.memory_space<hbm>>) target(%arg20 : memref<2000xi32, #tpu.memory_space<vmem>>) target_semaphore(%arg32 : memref<!tpu.dma_semaphore, #tpu.memory_space<semaphore_mem>>)
      %dma_start3A_38 = tpu.memref_slice %arg3[%add3A_35] : memref<3200000xf32, #tpu.memory_space<hbm>> -> memref<2000xf32, #tpu.memory_space<hbm>>
      %dma_start3A_39 = tpu.memref_slice %arg3[%add3A_35] : memref<3200000xf32, #tpu.memory_space<hbm>> -> memref<2000xf32, #tpu.memory_space<hbm>>
      tpu.enqueue_dma source(%dma_start3A_39 : memref<2000xf32, #tpu.memory_space<hbm>>) target(%arg21 : memref<2000xf32, #tpu.memory_space<vmem>>) target_semaphore(%arg32 : memref<!tpu.dma_semaphore, #tpu.memory_space<semaphore_mem>>)
      %dma_wait3A = arith.constant 0 : i32
      %dma_wait3A_40 = tpu.memref_slice %arg2[%dma_wait3A] : memref<200000xf32, #tpu.memory_space<hbm>> -> memref<100000xf32, #tpu.memory_space<hbm>>
      %dma_wait3A_41 = arith.constant 0 : i32
      %dma_wait3A_42 = tpu.memref_slice %arg2[%dma_wait3A_41] : memref<200000xf32, #tpu.memory_space<hbm>> -> memref<100000xf32, #tpu.memory_space<hbm>>
      tpu.wait_dma2 semaphore(%arg23 : memref<!tpu.dma_semaphore, #tpu.memory_space<semaphore_mem>>) src(%dma_wait3A_42 : memref<100000xf32, #tpu.memory_space<hbm>>) dst(%arg7 : memref<100000xf32, #tpu.memory_space<vmem>>)
      %scan3A = arith.constant 0 : i32
      %scan3A_43 = arith.constant 0 : i32
      %scan3A_44 = arith.constant 20 : i32
      %scan3A_45 = arith.addi %scan3A_43, %scan3A_44 : i32
      %scan3A_46 = arith.constant 1 : i32
      %scan3A_47 = scf.for %scan3A_79 = %scan3A_43 to %scan3A_45 step %scan3A_46 iter_args(%scan3A_80 = %scan3A) -> (i32)  : i32 {
        %mul3A_81 = arith.constant 5 : i32
        %mul3A_82 = arith.muli %scan3A_79, %mul3A_81 : i32
        %add3A_83 = arith.constant 0 : i32
        %add3A_84 = arith.addi %mul3A_82, %add3A_83 : i32
        %mul3A_85 = arith.constant 2000 : i32
        %mul3A_86 = arith.muli %add3A_84, %mul3A_85 : i32
        %add3A_87 = arith.addi %mul3A_0, %mul3A_86 : i32
        %dma_wait3A_88 = tpu.memref_slice %arg5[%add3A_87] : memref<3200000xi32, #tpu.memory_space<hbm>> -> memref<2000xi32, #tpu.memory_space<hbm>>
        %dma_wait3A_89 = tpu.memref_slice %arg5[%add3A_87] : memref<3200000xi32, #tpu.memory_space<hbm>> -> memref<2000xi32, #tpu.memory_space<hbm>>
        tpu.wait_dma2 semaphore(%arg24 : memref<!tpu.dma_semaphore, #tpu.memory_space<semaphore_mem>>) src(%dma_wait3A_89 : memref<2000xi32, #tpu.memory_space<hbm>>) dst(%arg8 : memref<2000xi32, #tpu.memory_space<vmem>>)
        %dma_wait3A_90 = tpu.memref_slice %arg3[%add3A_87] : memref<3200000xf32, #tpu.memory_space<hbm>> -> memref<2000xf32, #tpu.memory_space<hbm>>
        %dma_wait3A_91 = tpu.memref_slice %arg3[%add3A_87] : memref<3200000xf32, #tpu.memory_space<hbm>> -> memref<2000xf32, #tpu.memory_space<hbm>>
        tpu.wait_dma2 semaphore(%arg24 : memref<!tpu.dma_semaphore, #tpu.memory_space<semaphore_mem>>) src(%dma_wait3A_91 : memref<2000xf32, #tpu.memory_space<hbm>>) dst(%arg9 : memref<2000xf32, #tpu.memory_space<vmem>>)
        %gt3A = arith.constant 0 : i32
        %gt3A_92 = arith.cmpi sgt, %scan3A_79, %gt3A : i32
        %convert_element_type3A_93 = arith.extui %gt3A_92 : i1 to i32
        %cond3A_94 = arith.constant 0 : i32
        %cond3A_95 = arith.cmpi ne, %convert_element_type3A_93, %cond3A_94 : i32
        scf.if %cond3A_95 {
          %add3A_234 = arith.constant 0 : i32
          %add3A_235 = arith.addi %add3A_234, %mul3A_0 : i32
          %sub3A = arith.constant 5 : i32
          %sub3A_236 = arith.subi %add3A_84, %sub3A : i32
          %mul3A_237 = arith.constant 2000 : i32
          %mul3A_238 = arith.muli %sub3A_236, %mul3A_237 : i32
          %add3A_239 = arith.addi %add3A_235, %mul3A_238 : i32
          %dma_wait3A_240 = tpu.memref_slice %arg6[%add3A_239] : memref<6400000xf32, #tpu.memory_space<hbm>> -> memref<2000xf32, #tpu.memory_space<hbm>>
          %dma_wait3A_241 = tpu.memref_slice %arg6[%add3A_239] : memref<6400000xf32, #tpu.memory_space<hbm>> -> memref<2000xf32, #tpu.memory_space<hbm>>
          tpu.wait_dma2 semaphore(%arg25 : memref<!tpu.dma_semaphore, #tpu.memory_space<semaphore_mem>>) src(%arg10 : memref<2000xf32, #tpu.memory_space<vmem>>) dst(%dma_wait3A_241 : memref<2000xf32, #tpu.memory_space<hbm>>)
        } else {
        }
        %parallel_loop3A = arith.constant 0 : i32
        %parallel_loop3A_96 = arith.constant 2000 : i32
        %parallel_loop3A_97 = arith.constant 16 : i32
        scf.for %parallel_loop3A_234 = %parallel_loop3A to %parallel_loop3A_96 step %parallel_loop3A_97  : i32 {
          %parallel_loop3A_235 = arith.index_cast %parallel_loop3A_234 : i32 to index
          %parallel_loop3A_236 = tpu.vector_load %arg9[%parallel_loop3A_235] {strides = array<i32>} : memref<2000xf32, #tpu.memory_space<vmem>>, vector<16xf32>,
          %parallel_loop3A_237 = arith.index_cast %parallel_loop3A_234 : i32 to index
          %parallel_loop3A_238 = tpu.vector_load %arg8[%parallel_loop3A_237] {strides = array<i32>} : memref<2000xi32, #tpu.memory_space<vmem>>, vector<16xi32>,
          %parallel_loop3A_239 = tpu.vector_load_idx %arg7[%parallel_loop3A_238] : memref<100000xf32, #tpu.memory_space<vmem>>[vector<16xi32>], vector<16xf32>,
          %parallel_loop3A_240 = arith.addf %parallel_loop3A_236, %parallel_loop3A_239 : vector<16xf32>
          %parallel_loop3A_241 = arith.index_cast %parallel_loop3A_234 : i32 to index
          %parallel_loop3A_242 = tpu.vector_load %arg10[%parallel_loop3A_241] {strides = array<i32>} : memref<2000xf32, #tpu.memory_space<vmem>>, vector<16xf32>,
          tpu.vector_store %arg10[%parallel_loop3A_241], %parallel_loop3A_240 {strides = array<i32>} : memref<2000xf32, #tpu.memory_space<vmem>>, vector<16xf32>,
        } {sc.loop_unroll_factor = 8 : i64, sc.parallel_access}
        %add3A_98 = arith.constant 0 : i32
        %add3A_99 = arith.addi %add3A_98, %mul3A_0 : i32
        %mul3A_100 = arith.constant 2000 : i32
        %mul3A_101 = arith.muli %add3A_84, %mul3A_100 : i32
        %add3A_102 = arith.addi %add3A_99, %mul3A_101 : i32
        %dma_start3A_103 = tpu.memref_slice %arg6[%add3A_102] : memref<6400000xf32, #tpu.memory_space<hbm>> -> memref<2000xf32, #tpu.memory_space<hbm>>
        %dma_start3A_104 = tpu.memref_slice %arg6[%add3A_102] : memref<6400000xf32, #tpu.memory_space<hbm>> -> memref<2000xf32, #tpu.memory_space<hbm>>
        tpu.enqueue_dma source(%arg10 : memref<2000xf32, #tpu.memory_space<vmem>>) target(%dma_start3A_104 : memref<2000xf32, #tpu.memory_space<hbm>>) target_semaphore(%arg25 : memref<!tpu.dma_semaphore, #tpu.memory_space<semaphore_mem>>)
        %lt3A = arith.constant 19 : i32
        %lt3A_105 = arith.cmpi slt, %scan3A_79, %lt3A : i32
        %convert_element_type3A_106 = arith.extui %lt3A_105 : i1 to i32
        %cond3A_107 = arith.constant 0 : i32
        %cond3A_108 = arith.cmpi ne, %convert_element_type3A_106, %cond3A_107 : i32
        scf.if %cond3A_108 {
          %add3A_234 = arith.constant 5 : i32
          %add3A_235 = arith.addi %add3A_84, %add3A_234 : i32
          %mul3A_236 = arith.constant 2000 : i32
          %mul3A_237 = arith.muli %add3A_235, %mul3A_236 : i32
          %add3A_238 = arith.addi %mul3A_0, %mul3A_237 : i32
          %dma_start3A_239 = tpu.memref_slice %arg5[%add3A_238] : memref<3200000xi32, #tpu.memory_space<hbm>> -> memref<2000xi32, #tpu.memory_space<hbm>>
          %dma_start3A_240 = tpu.memref_slice %arg5[%add3A_238] : memref<3200000xi32, #tpu.memory_space<hbm>> -> memref<2000xi32, #tpu.memory_space<hbm>>
          tpu.enqueue_dma source(%dma_start3A_240 : memref<2000xi32, #tpu.memory_space<hbm>>) target(%arg8 : memref<2000xi32, #tpu.memory_space<vmem>>) target_semaphore(%arg24 : memref<!tpu.dma_semaphore, #tpu.memory_space<semaphore_mem>>)
          %dma_start3A_241 = tpu.memref_slice %arg3[%add3A_238] : memref<3200000xf32, #tpu.memory_space<hbm>> -> memref<2000xf32, #tpu.memory_space<hbm>>
          %dma_start3A_242 = tpu.memref_slice %arg3[%add3A_238] : memref<3200000xf32, #tpu.memory_space<hbm>> -> memref<2000xf32, #tpu.memory_space<hbm>>
          tpu.enqueue_dma source(%dma_start3A_242 : memref<2000xf32, #tpu.memory_space<hbm>>) target(%arg9 : memref<2000xf32, #tpu.memory_space<vmem>>) target_semaphore(%arg24 : memref<!tpu.dma_semaphore, #tpu.memory_space<semaphore_mem>>)
        } else {
        }
        %mul3A_109 = arith.constant 5 : i32
        %mul3A_110 = arith.muli %scan3A_79, %mul3A_109 : i32
        %add3A_111 = arith.constant 1 : i32
        %add3A_112 = arith.addi %mul3A_110, %add3A_111 : i32
        %mul3A_113 = arith.constant 2000 : i32
        %mul3A_114 = arith.muli %add3A_112, %mul3A_113 : i32
        %add3A_115 = arith.addi %mul3A_0, %mul3A_114 : i32
        %dma_wait3A_116 = tpu.memref_slice %arg5[%add3A_115] : memref<3200000xi32, #tpu.memory_space<hbm>> -> memref<2000xi32, #tpu.memory_space<hbm>>
        %dma_wait3A_117 = tpu.memref_slice %arg5[%add3A_115] : memref<3200000xi32, #tpu.memory_space<hbm>> -> memref<2000xi32, #tpu.memory_space<hbm>>
        tpu.wait_dma2 semaphore(%arg26 : memref<!tpu.dma_semaphore, #tpu.memory_space<semaphore_mem>>) src(%dma_wait3A_117 : memref<2000xi32, #tpu.memory_space<hbm>>) dst(%arg11 : memref<2000xi32, #tpu.memory_space<vmem>>)
        %dma_wait3A_118 = tpu.memref_slice %arg3[%add3A_115] : memref<3200000xf32, #tpu.memory_space<hbm>> -> memref<2000xf32, #tpu.memory_space<hbm>>
        %dma_wait3A_119 = tpu.memref_slice %arg3[%add3A_115] : memref<3200000xf32, #tpu.memory_space<hbm>> -> memref<2000xf32, #tpu.memory_space<hbm>>
        tpu.wait_dma2 semaphore(%arg26 : memref<!tpu.dma_semaphore, #tpu.memory_space<semaphore_mem>>) src(%dma_wait3A_119 : memref<2000xf32, #tpu.memory_space<hbm>>) dst(%arg12 : memref<2000xf32, #tpu.memory_space<vmem>>)
        %gt3A_120 = arith.constant 0 : i32
        %gt3A_121 = arith.cmpi sgt, %scan3A_79, %gt3A_120 : i32
        %convert_element_type3A_122 = arith.extui %gt3A_121 : i1 to i32
        %cond3A_123 = arith.constant 0 : i32
        %cond3A_124 = arith.cmpi ne, %convert_element_type3A_122, %cond3A_123 : i32
        scf.if %cond3A_124 {
          %add3A_234 = arith.constant 0 : i32
          %add3A_235 = arith.addi %add3A_234, %mul3A_0 : i32
          %sub3A = arith.constant 5 : i32
          %sub3A_236 = arith.subi %add3A_112, %sub3A : i32
          %mul3A_237 = arith.constant 2000 : i32
          %mul3A_238 = arith.muli %sub3A_236, %mul3A_237 : i32
          %add3A_239 = arith.addi %add3A_235, %mul3A_238 : i32
          %dma_wait3A_240 = tpu.memref_slice %arg6[%add3A_239] : memref<6400000xf32, #tpu.memory_space<hbm>> -> memref<2000xf32, #tpu.memory_space<hbm>>
          %dma_wait3A_241 = tpu.memref_slice %arg6[%add3A_239] : memref<6400000xf32, #tpu.memory_space<hbm>> -> memref<2000xf32, #tpu.memory_space<hbm>>
          tpu.wait_dma2 semaphore(%arg27 : memref<!tpu.dma_semaphore, #tpu.memory_space<semaphore_mem>>) src(%arg13 : memref<2000xf32, #tpu.memory_space<vmem>>) dst(%dma_wait3A_241 : memref<2000xf32, #tpu.memory_space<hbm>>)
        } else {
        }
        %parallel_loop3A_125 = arith.constant 0 : i32
        %parallel_loop3A_126 = arith.constant 2000 : i32
        %parallel_loop3A_127 = arith.constant 16 : i32
        scf.for %parallel_loop3A_234 = %parallel_loop3A_125 to %parallel_loop3A_126 step %parallel_loop3A_127  : i32 {
          %parallel_loop3A_235 = arith.index_cast %parallel_loop3A_234 : i32 to index
          %parallel_loop3A_236 = tpu.vector_load %arg12[%parallel_loop3A_235] {strides = array<i32>} : memref<2000xf32, #tpu.memory_space<vmem>>, vector<16xf32>,
          %parallel_loop3A_237 = arith.index_cast %parallel_loop3A_234 : i32 to index
          %parallel_loop3A_238 = tpu.vector_load %arg11[%parallel_loop3A_237] {strides = array<i32>} : memref<2000xi32, #tpu.memory_space<vmem>>, vector<16xi32>,
          %parallel_loop3A_239 = tpu.vector_load_idx %arg7[%parallel_loop3A_238] : memref<100000xf32, #tpu.memory_space<vmem>>[vector<16xi32>], vector<16xf32>,
          %parallel_loop3A_240 = arith.addf %parallel_loop3A_236, %parallel_loop3A_239 : vector<16xf32>
          %parallel_loop3A_241 = arith.index_cast %parallel_loop3A_234 : i32 to index
          %parallel_loop3A_242 = tpu.vector_load %arg13[%parallel_loop3A_241] {strides = array<i32>} : memref<2000xf32, #tpu.memory_space<vmem>>, vector<16xf32>,
          tpu.vector_store %arg13[%parallel_loop3A_241], %parallel_loop3A_240 {strides = array<i32>} : memref<2000xf32, #tpu.memory_space<vmem>>, vector<16xf32>,
        } {sc.loop_unroll_factor = 8 : i64, sc.parallel_access}
        %add3A_128 = arith.constant 0 : i32
        %add3A_129 = arith.addi %add3A_128, %mul3A_0 : i32
        %mul3A_130 = arith.constant 2000 : i32
        %mul3A_131 = arith.muli %add3A_112, %mul3A_130 : i32
        %add3A_132 = arith.addi %add3A_129, %mul3A_131 : i32
        %dma_start3A_133 = tpu.memref_slice %arg6[%add3A_132] : memref<6400000xf32, #tpu.memory_space<hbm>> -> memref<2000xf32, #tpu.memory_space<hbm>>
        %dma_start3A_134 = tpu.memref_slice %arg6[%add3A_132] : memref<6400000xf32, #tpu.memory_space<hbm>> -> memref<2000xf32, #tpu.memory_space<hbm>>
        tpu.enqueue_dma source(%arg13 : memref<2000xf32, #tpu.memory_space<vmem>>) target(%dma_start3A_134 : memref<2000xf32, #tpu.memory_space<hbm>>) target_semaphore(%arg27 : memref<!tpu.dma_semaphore, #tpu.memory_space<semaphore_mem>>)
        %lt3A_135 = arith.constant 19 : i32
        %lt3A_136 = arith.cmpi slt, %scan3A_79, %lt3A_135 : i32
        %convert_element_type3A_137 = arith.extui %lt3A_136 : i1 to i32
        %cond3A_138 = arith.constant 0 : i32
        %cond3A_139 = arith.cmpi ne, %convert_element_type3A_137, %cond3A_138 : i32
        scf.if %cond3A_139 {
          %add3A_234 = arith.constant 5 : i32
          %add3A_235 = arith.addi %add3A_112, %add3A_234 : i32
          %mul3A_236 = arith.constant 2000 : i32
          %mul3A_237 = arith.muli %add3A_235, %mul3A_236 : i32
          %add3A_238 = arith.addi %mul3A_0, %mul3A_237 : i32
          %dma_start3A_239 = tpu.memref_slice %arg5[%add3A_238] : memref<3200000xi32, #tpu.memory_space<hbm>> -> memref<2000xi32, #tpu.memory_space<hbm>>
          %dma_start3A_240 = tpu.memref_slice %arg5[%add3A_238] : memref<3200000xi32, #tpu.memory_space<hbm>> -> memref<2000xi32, #tpu.memory_space<hbm>>
          tpu.enqueue_dma source(%dma_start3A_240 : memref<2000xi32, #tpu.memory_space<hbm>>) target(%arg11 : memref<2000xi32, #tpu.memory_space<vmem>>) target_semaphore(%arg26 : memref<!tpu.dma_semaphore, #tpu.memory_space<semaphore_mem>>)
          %dma_start3A_241 = tpu.memref_slice %arg3[%add3A_238] : memref<3200000xf32, #tpu.memory_space<hbm>> -> memref<2000xf32, #tpu.memory_space<hbm>>
          %dma_start3A_242 = tpu.memref_slice %arg3[%add3A_238] : memref<3200000xf32, #tpu.memory_space<hbm>> -> memref<2000xf32, #tpu.memory_space<hbm>>
          tpu.enqueue_dma source(%dma_start3A_242 : memref<2000xf32, #tpu.memory_space<hbm>>) target(%arg12 : memref<2000xf32, #tpu.memory_space<vmem>>) target_semaphore(%arg26 : memref<!tpu.dma_semaphore, #tpu.memory_space<semaphore_mem>>)
        } else {
        }
        %mul3A_140 = arith.constant 5 : i32
        %mul3A_141 = arith.muli %scan3A_79, %mul3A_140 : i32
        %add3A_142 = arith.constant 2 : i32
        %add3A_143 = arith.addi %mul3A_141, %add3A_142 : i32
        %mul3A_144 = arith.constant 2000 : i32
        %mul3A_145 = arith.muli %add3A_143, %mul3A_144 : i32
        %add3A_146 = arith.addi %mul3A_0, %mul3A_145 : i32
        %dma_wait3A_147 = tpu.memref_slice %arg5[%add3A_146] : memref<3200000xi32, #tpu.memory_space<hbm>> -> memref<2000xi32, #tpu.memory_space<hbm>>
        %dma_wait3A_148 = tpu.memref_slice %arg5[%add3A_146] : memref<3200000xi32, #tpu.memory_space<hbm>> -> memref<2000xi32, #tpu.memory_space<hbm>>
        tpu.wait_dma2 semaphore(%arg28 : memref<!tpu.dma_semaphore, #tpu.memory_space<semaphore_mem>>) src(%dma_wait3A_148 : memref<2000xi32, #tpu.memory_space<hbm>>) dst(%arg14 : memref<2000xi32, #tpu.memory_space<vmem>>)
        %dma_wait3A_149 = tpu.memref_slice %arg3[%add3A_146] : memref<3200000xf32, #tpu.memory_space<hbm>> -> memref<2000xf32, #tpu.memory_space<hbm>>
        %dma_wait3A_150 = tpu.memref_slice %arg3[%add3A_146] : memref<3200000xf32, #tpu.memory_space<hbm>> -> memref<2000xf32, #tpu.memory_space<hbm>>
        tpu.wait_dma2 semaphore(%arg28 : memref<!tpu.dma_semaphore, #tpu.memory_space<semaphore_mem>>) src(%dma_wait3A_150 : memref<2000xf32, #tpu.memory_space<hbm>>) dst(%arg15 : memref<2000xf32, #tpu.memory_space<vmem>>)
        %gt3A_151 = arith.constant 0 : i32
        %gt3A_152 = arith.cmpi sgt, %scan3A_79, %gt3A_151 : i32
        %convert_element_type3A_153 = arith.extui %gt3A_152 : i1 to i32
        %cond3A_154 = arith.constant 0 : i32
        %cond3A_155 = arith.cmpi ne, %convert_element_type3A_153, %cond3A_154 : i32
        scf.if %cond3A_155 {
          %add3A_234 = arith.constant 0 : i32
          %add3A_235 = arith.addi %add3A_234, %mul3A_0 : i32
          %sub3A = arith.constant 5 : i32
          %sub3A_236 = arith.subi %add3A_143, %sub3A : i32
          %mul3A_237 = arith.constant 2000 : i32
          %mul3A_238 = arith.muli %sub3A_236, %mul3A_237 : i32
          %add3A_239 = arith.addi %add3A_235, %mul3A_238 : i32
          %dma_wait3A_240 = tpu.memref_slice %arg6[%add3A_239] : memref<6400000xf32, #tpu.memory_space<hbm>> -> memref<2000xf32, #tpu.memory_space<hbm>>
          %dma_wait3A_241 = tpu.memref_slice %arg6[%add3A_239] : memref<6400000xf32, #tpu.memory_space<hbm>> -> memref<2000xf32, #tpu.memory_space<hbm>>
          tpu.wait_dma2 semaphore(%arg29 : memref<!tpu.dma_semaphore, #tpu.memory_space<semaphore_mem>>) src(%arg16 : memref<2000xf32, #tpu.memory_space<vmem>>) dst(%dma_wait3A_241 : memref<2000xf32, #tpu.memory_space<hbm>>)
        } else {
        }
        %parallel_loop3A_156 = arith.constant 0 : i32
        %parallel_loop3A_157 = arith.constant 2000 : i32
        %parallel_loop3A_158 = arith.constant 16 : i32
        scf.for %parallel_loop3A_234 = %parallel_loop3A_156 to %parallel_loop3A_157 step %parallel_loop3A_158  : i32 {
          %parallel_loop3A_235 = arith.index_cast %parallel_loop3A_234 : i32 to index
          %parallel_loop3A_236 = tpu.vector_load %arg15[%parallel_loop3A_235] {strides = array<i32>} : memref<2000xf32, #tpu.memory_space<vmem>>, vector<16xf32>,
          %parallel_loop3A_237 = arith.index_cast %parallel_loop3A_234 : i32 to index
          %parallel_loop3A_238 = tpu.vector_load %arg14[%parallel_loop3A_237] {strides = array<i32>} : memref<2000xi32, #tpu.memory_space<vmem>>, vector<16xi32>,
          %parallel_loop3A_239 = tpu.vector_load_idx %arg7[%parallel_loop3A_238] : memref<100000xf32, #tpu.memory_space<vmem>>[vector<16xi32>], vector<16xf32>,
          %parallel_loop3A_240 = arith.addf %parallel_loop3A_236, %parallel_loop3A_239 : vector<16xf32>
          %parallel_loop3A_241 = arith.index_cast %parallel_loop3A_234 : i32 to index
          %parallel_loop3A_242 = tpu.vector_load %arg16[%parallel_loop3A_241] {strides = array<i32>} : memref<2000xf32, #tpu.memory_space<vmem>>, vector<16xf32>,
          tpu.vector_store %arg16[%parallel_loop3A_241], %parallel_loop3A_240 {strides = array<i32>} : memref<2000xf32, #tpu.memory_space<vmem>>, vector<16xf32>,
        } {sc.loop_unroll_factor = 8 : i64, sc.parallel_access}
        %add3A_159 = arith.constant 0 : i32
        %add3A_160 = arith.addi %add3A_159, %mul3A_0 : i32
        %mul3A_161 = arith.constant 2000 : i32
        %mul3A_162 = arith.muli %add3A_143, %mul3A_161 : i32
        %add3A_163 = arith.addi %add3A_160, %mul3A_162 : i32
        %dma_start3A_164 = tpu.memref_slice %arg6[%add3A_163] : memref<6400000xf32, #tpu.memory_space<hbm>> -> memref<2000xf32, #tpu.memory_space<hbm>>
        %dma_start3A_165 = tpu.memref_slice %arg6[%add3A_163] : memref<6400000xf32, #tpu.memory_space<hbm>> -> memref<2000xf32, #tpu.memory_space<hbm>>
        tpu.enqueue_dma source(%arg16 : memref<2000xf32, #tpu.memory_space<vmem>>) target(%dma_start3A_165 : memref<2000xf32, #tpu.memory_space<hbm>>) target_semaphore(%arg29 : memref<!tpu.dma_semaphore, #tpu.memory_space<semaphore_mem>>)
        %lt3A_166 = arith.constant 19 : i32
        %lt3A_167 = arith.cmpi slt, %scan3A_79, %lt3A_166 : i32
        %convert_element_type3A_168 = arith.extui %lt3A_167 : i1 to i32
        %cond3A_169 = arith.constant 0 : i32
        %cond3A_170 = arith.cmpi ne, %convert_element_type3A_168, %cond3A_169 : i32
        scf.if %cond3A_170 {
          %add3A_234 = arith.constant 5 : i32
          %add3A_235 = arith.addi %add3A_143, %add3A_234 : i32
          %mul3A_236 = arith.constant 2000 : i32
          %mul3A_237 = arith.muli %add3A_235, %mul3A_236 : i32
          %add3A_238 = arith.addi %mul3A_0, %mul3A_237 : i32
          %dma_start3A_239 = tpu.memref_slice %arg5[%add3A_238] : memref<3200000xi32, #tpu.memory_space<hbm>> -> memref<2000xi32, #tpu.memory_space<hbm>>
          %dma_start3A_240 = tpu.memref_slice %arg5[%add3A_238] : memref<3200000xi32, #tpu.memory_space<hbm>> -> memref<2000xi32, #tpu.memory_space<hbm>>
          tpu.enqueue_dma source(%dma_start3A_240 : memref<2000xi32, #tpu.memory_space<hbm>>) target(%arg14 : memref<2000xi32, #tpu.memory_space<vmem>>) target_semaphore(%arg28 : memref<!tpu.dma_semaphore, #tpu.memory_space<semaphore_mem>>)
          %dma_start3A_241 = tpu.memref_slice %arg3[%add3A_238] : memref<3200000xf32, #tpu.memory_space<hbm>> -> memref<2000xf32, #tpu.memory_space<hbm>>
          %dma_start3A_242 = tpu.memref_slice %arg3[%add3A_238] : memref<3200000xf32, #tpu.memory_space<hbm>> -> memref<2000xf32, #tpu.memory_space<hbm>>
          tpu.enqueue_dma source(%dma_start3A_242 : memref<2000xf32, #tpu.memory_space<hbm>>) target(%arg15 : memref<2000xf32, #tpu.memory_space<vmem>>) target_semaphore(%arg28 : memref<!tpu.dma_semaphore, #tpu.memory_space<semaphore_mem>>)
        } else {
        }
        %mul3A_171 = arith.constant 5 : i32
        %mul3A_172 = arith.muli %scan3A_79, %mul3A_171 : i32
        %add3A_173 = arith.constant 3 : i32
        %add3A_174 = arith.addi %mul3A_172, %add3A_173 : i32
        %mul3A_175 = arith.constant 2000 : i32
        %mul3A_176 = arith.muli %add3A_174, %mul3A_175 : i32
        %add3A_177 = arith.addi %mul3A_0, %mul3A_176 : i32
        %dma_wait3A_178 = tpu.memref_slice %arg5[%add3A_177] : memref<3200000xi32, #tpu.memory_space<hbm>> -> memref<2000xi32, #tpu.memory_space<hbm>>
        %dma_wait3A_179 = tpu.memref_slice %arg5[%add3A_177] : memref<3200000xi32, #tpu.memory_space<hbm>> -> memref<2000xi32, #tpu.memory_space<hbm>>
        tpu.wait_dma2 semaphore(%arg30 : memref<!tpu.dma_semaphore, #tpu.memory_space<semaphore_mem>>) src(%dma_wait3A_179 : memref<2000xi32, #tpu.memory_space<hbm>>) dst(%arg17 : memref<2000xi32, #tpu.memory_space<vmem>>)
        %dma_wait3A_180 = tpu.memref_slice %arg3[%add3A_177] : memref<3200000xf32, #tpu.memory_space<hbm>> -> memref<2000xf32, #tpu.memory_space<hbm>>
        %dma_wait3A_181 = tpu.memref_slice %arg3[%add3A_177] : memref<3200000xf32, #tpu.memory_space<hbm>> -> memref<2000xf32, #tpu.memory_space<hbm>>
        tpu.wait_dma2 semaphore(%arg30 : memref<!tpu.dma_semaphore, #tpu.memory_space<semaphore_mem>>) src(%dma_wait3A_181 : memref<2000xf32, #tpu.memory_space<hbm>>) dst(%arg18 : memref<2000xf32, #tpu.memory_space<vmem>>)
        %gt3A_182 = arith.constant 0 : i32
        %gt3A_183 = arith.cmpi sgt, %scan3A_79, %gt3A_182 : i32
        %convert_element_type3A_184 = arith.extui %gt3A_183 : i1 to i32
        %cond3A_185 = arith.constant 0 : i32
        %cond3A_186 = arith.cmpi ne, %convert_element_type3A_184, %cond3A_185 : i32
        scf.if %cond3A_186 {
          %add3A_234 = arith.constant 0 : i32
          %add3A_235 = arith.addi %add3A_234, %mul3A_0 : i32
          %sub3A = arith.constant 5 : i32
          %sub3A_236 = arith.subi %add3A_174, %sub3A : i32
          %mul3A_237 = arith.constant 2000 : i32
          %mul3A_238 = arith.muli %sub3A_236, %mul3A_237 : i32
          %add3A_239 = arith.addi %add3A_235, %mul3A_238 : i32
          %dma_wait3A_240 = tpu.memref_slice %arg6[%add3A_239] : memref<6400000xf32, #tpu.memory_space<hbm>> -> memref<2000xf32, #tpu.memory_space<hbm>>
          %dma_wait3A_241 = tpu.memref_slice %arg6[%add3A_239] : memref<6400000xf32, #tpu.memory_space<hbm>> -> memref<2000xf32, #tpu.memory_space<hbm>>
          tpu.wait_dma2 semaphore(%arg31 : memref<!tpu.dma_semaphore, #tpu.memory_space<semaphore_mem>>) src(%arg19 : memref<2000xf32, #tpu.memory_space<vmem>>) dst(%dma_wait3A_241 : memref<2000xf32, #tpu.memory_space<hbm>>)
        } else {
        }
        %parallel_loop3A_187 = arith.constant 0 : i32
        %parallel_loop3A_188 = arith.constant 2000 : i32
        %parallel_loop3A_189 = arith.constant 16 : i32
        scf.for %parallel_loop3A_234 = %parallel_loop3A_187 to %parallel_loop3A_188 step %parallel_loop3A_189  : i32 {
          %parallel_loop3A_235 = arith.index_cast %parallel_loop3A_234 : i32 to index
          %parallel_loop3A_236 = tpu.vector_load %arg18[%parallel_loop3A_235] {strides = array<i32>} : memref<2000xf32, #tpu.memory_space<vmem>>, vector<16xf32>,
          %parallel_loop3A_237 = arith.index_cast %parallel_loop3A_234 : i32 to index
          %parallel_loop3A_238 = tpu.vector_load %arg17[%parallel_loop3A_237] {strides = array<i32>} : memref<2000xi32, #tpu.memory_space<vmem>>, vector<16xi32>,
          %parallel_loop3A_239 = tpu.vector_load_idx %arg7[%parallel_loop3A_238] : memref<100000xf32, #tpu.memory_space<vmem>>[vector<16xi32>], vector<16xf32>,
          %parallel_loop3A_240 = arith.addf %parallel_loop3A_236, %parallel_loop3A_239 : vector<16xf32>
          %parallel_loop3A_241 = arith.index_cast %parallel_loop3A_234 : i32 to index
          %parallel_loop3A_242 = tpu.vector_load %arg19[%parallel_loop3A_241] {strides = array<i32>} : memref<2000xf32, #tpu.memory_space<vmem>>, vector<16xf32>,
          tpu.vector_store %arg19[%parallel_loop3A_241], %parallel_loop3A_240 {strides = array<i32>} : memref<2000xf32, #tpu.memory_space<vmem>>, vector<16xf32>,
        } {sc.loop_unroll_factor = 8 : i64, sc.parallel_access}
        %add3A_190 = arith.constant 0 : i32
        %add3A_191 = arith.addi %add3A_190, %mul3A_0 : i32
        %mul3A_192 = arith.constant 2000 : i32
        %mul3A_193 = arith.muli %add3A_174, %mul3A_192 : i32
        %add3A_194 = arith.addi %add3A_191, %mul3A_193 : i32
        %dma_start3A_195 = tpu.memref_slice %arg6[%add3A_194] : memref<6400000xf32, #tpu.memory_space<hbm>> -> memref<2000xf32, #tpu.memory_space<hbm>>
        %dma_start3A_196 = tpu.memref_slice %arg6[%add3A_194] : memref<6400000xf32, #tpu.memory_space<hbm>> -> memref<2000xf32, #tpu.memory_space<hbm>>
        tpu.enqueue_dma source(%arg19 : memref<2000xf32, #tpu.memory_space<vmem>>) target(%dma_start3A_196 : memref<2000xf32, #tpu.memory_space<hbm>>) target_semaphore(%arg31 : memref<!tpu.dma_semaphore, #tpu.memory_space<semaphore_mem>>)
        %lt3A_197 = arith.constant 19 : i32
        %lt3A_198 = arith.cmpi slt, %scan3A_79, %lt3A_197 : i32
        %convert_element_type3A_199 = arith.extui %lt3A_198 : i1 to i32
        %cond3A_200 = arith.constant 0 : i32
        %cond3A_201 = arith.cmpi ne, %convert_element_type3A_199, %cond3A_200 : i32
        scf.if %cond3A_201 {
          %add3A_234 = arith.constant 5 : i32
          %add3A_235 = arith.addi %add3A_174, %add3A_234 : i32
          %mul3A_236 = arith.constant 2000 : i32
          %mul3A_237 = arith.muli %add3A_235, %mul3A_236 : i32
          %add3A_238 = arith.addi %mul3A_0, %mul3A_237 : i32
          %dma_start3A_239 = tpu.memref_slice %arg5[%add3A_238] : memref<3200000xi32, #tpu.memory_space<hbm>> -> memref<2000xi32, #tpu.memory_space<hbm>>
          %dma_start3A_240 = tpu.memref_slice %arg5[%add3A_238] : memref<3200000xi32, #tpu.memory_space<hbm>> -> memref<2000xi32, #tpu.memory_space<hbm>>
          tpu.enqueue_dma source(%dma_start3A_240 : memref<2000xi32, #tpu.memory_space<hbm>>) target(%arg17 : memref<2000xi32, #tpu.memory_space<vmem>>) target_semaphore(%arg30 : memref<!tpu.dma_semaphore, #tpu.memory_space<semaphore_mem>>)
          %dma_start3A_241 = tpu.memref_slice %arg3[%add3A_238] : memref<3200000xf32, #tpu.memory_space<hbm>> -> memref<2000xf32, #tpu.memory_space<hbm>>
          %dma_start3A_242 = tpu.memref_slice %arg3[%add3A_238] : memref<3200000xf32, #tpu.memory_space<hbm>> -> memref<2000xf32, #tpu.memory_space<hbm>>
          tpu.enqueue_dma source(%dma_start3A_242 : memref<2000xf32, #tpu.memory_space<hbm>>) target(%arg18 : memref<2000xf32, #tpu.memory_space<vmem>>) target_semaphore(%arg30 : memref<!tpu.dma_semaphore, #tpu.memory_space<semaphore_mem>>)
        } else {
        }
        %mul3A_202 = arith.constant 5 : i32
        %mul3A_203 = arith.muli %scan3A_79, %mul3A_202 : i32
        %add3A_204 = arith.constant 4 : i32
        %add3A_205 = arith.addi %mul3A_203, %add3A_204 : i32
        %mul3A_206 = arith.constant 2000 : i32
        %mul3A_207 = arith.muli %add3A_205, %mul3A_206 : i32
        %add3A_208 = arith.addi %mul3A_0, %mul3A_207 : i32
        %dma_wait3A_209 = tpu.memref_slice %arg5[%add3A_208] : memref<3200000xi32, #tpu.memory_space<hbm>> -> memref<2000xi32, #tpu.memory_space<hbm>>
        %dma_wait3A_210 = tpu.memref_slice %arg5[%add3A_208] : memref<3200000xi32, #tpu.memory_space<hbm>> -> memref<2000xi32, #tpu.memory_space<hbm>>
        tpu.wait_dma2 semaphore(%arg32 : memref<!tpu.dma_semaphore, #tpu.memory_space<semaphore_mem>>) src(%dma_wait3A_210 : memref<2000xi32, #tpu.memory_space<hbm>>) dst(%arg20 : memref<2000xi32, #tpu.memory_space<vmem>>)
        %dma_wait3A_211 = tpu.memref_slice %arg3[%add3A_208] : memref<3200000xf32, #tpu.memory_space<hbm>> -> memref<2000xf32, #tpu.memory_space<hbm>>
        %dma_wait3A_212 = tpu.memref_slice %arg3[%add3A_208] : memref<3200000xf32, #tpu.memory_space<hbm>> -> memref<2000xf32, #tpu.memory_space<hbm>>
        tpu.wait_dma2 semaphore(%arg32 : memref<!tpu.dma_semaphore, #tpu.memory_space<semaphore_mem>>) src(%dma_wait3A_212 : memref<2000xf32, #tpu.memory_space<hbm>>) dst(%arg21 : memref<2000xf32, #tpu.memory_space<vmem>>)
        %gt3A_213 = arith.constant 0 : i32
        %gt3A_214 = arith.cmpi sgt, %scan3A_79, %gt3A_213 : i32
        %convert_element_type3A_215 = arith.extui %gt3A_214 : i1 to i32
        %cond3A_216 = arith.constant 0 : i32
        %cond3A_217 = arith.cmpi ne, %convert_element_type3A_215, %cond3A_216 : i32
        scf.if %cond3A_217 {
          %add3A_234 = arith.constant 0 : i32
          %add3A_235 = arith.addi %add3A_234, %mul3A_0 : i32
          %sub3A = arith.constant 5 : i32
          %sub3A_236 = arith.subi %add3A_205, %sub3A : i32
          %mul3A_237 = arith.constant 2000 : i32
          %mul3A_238 = arith.muli %sub3A_236, %mul3A_237 : i32
          %add3A_239 = arith.addi %add3A_235, %mul3A_238 : i32
          %dma_wait3A_240 = tpu.memref_slice %arg6[%add3A_239] : memref<6400000xf32, #tpu.memory_space<hbm>> -> memref<2000xf32, #tpu.memory_space<hbm>>
          %dma_wait3A_241 = tpu.memref_slice %arg6[%add3A_239] : memref<6400000xf32, #tpu.memory_space<hbm>> -> memref<2000xf32, #tpu.memory_space<hbm>>
          tpu.wait_dma2 semaphore(%arg33 : memref<!tpu.dma_semaphore, #tpu.memory_space<semaphore_mem>>) src(%arg22 : memref<2000xf32, #tpu.memory_space<vmem>>) dst(%dma_wait3A_241 : memref<2000xf32, #tpu.memory_space<hbm>>)
        } else {
        }
        %parallel_loop3A_218 = arith.constant 0 : i32
        %parallel_loop3A_219 = arith.constant 2000 : i32
        %parallel_loop3A_220 = arith.constant 16 : i32
        scf.for %parallel_loop3A_234 = %parallel_loop3A_218 to %parallel_loop3A_219 step %parallel_loop3A_220  : i32 {
          %parallel_loop3A_235 = arith.index_cast %parallel_loop3A_234 : i32 to index
          %parallel_loop3A_236 = tpu.vector_load %arg21[%parallel_loop3A_235] {strides = array<i32>} : memref<2000xf32, #tpu.memory_space<vmem>>, vector<16xf32>,
          %parallel_loop3A_237 = arith.index_cast %parallel_loop3A_234 : i32 to index
          %parallel_loop3A_238 = tpu.vector_load %arg20[%parallel_loop3A_237] {strides = array<i32>} : memref<2000xi32, #tpu.memory_space<vmem>>, vector<16xi32>,
          %parallel_loop3A_239 = tpu.vector_load_idx %arg7[%parallel_loop3A_238] : memref<100000xf32, #tpu.memory_space<vmem>>[vector<16xi32>], vector<16xf32>,
          %parallel_loop3A_240 = arith.addf %parallel_loop3A_236, %parallel_loop3A_239 : vector<16xf32>
          %parallel_loop3A_241 = arith.index_cast %parallel_loop3A_234 : i32 to index
          %parallel_loop3A_242 = tpu.vector_load %arg22[%parallel_loop3A_241] {strides = array<i32>} : memref<2000xf32, #tpu.memory_space<vmem>>, vector<16xf32>,
          tpu.vector_store %arg22[%parallel_loop3A_241], %parallel_loop3A_240 {strides = array<i32>} : memref<2000xf32, #tpu.memory_space<vmem>>, vector<16xf32>,
        } {sc.loop_unroll_factor = 8 : i64, sc.parallel_access}
        %add3A_221 = arith.constant 0 : i32
        %add3A_222 = arith.addi %add3A_221, %mul3A_0 : i32
        %mul3A_223 = arith.constant 2000 : i32
        %mul3A_224 = arith.muli %add3A_205, %mul3A_223 : i32
        %add3A_225 = arith.addi %add3A_222, %mul3A_224 : i32
        %dma_start3A_226 = tpu.memref_slice %arg6[%add3A_225] : memref<6400000xf32, #tpu.memory_space<hbm>> -> memref<2000xf32, #tpu.memory_space<hbm>>
        %dma_start3A_227 = tpu.memref_slice %arg6[%add3A_225] : memref<6400000xf32, #tpu.memory_space<hbm>> -> memref<2000xf32, #tpu.memory_space<hbm>>
        tpu.enqueue_dma source(%arg22 : memref<2000xf32, #tpu.memory_space<vmem>>) target(%dma_start3A_227 : memref<2000xf32, #tpu.memory_space<hbm>>) target_semaphore(%arg33 : memref<!tpu.dma_semaphore, #tpu.memory_space<semaphore_mem>>)
        %lt3A_228 = arith.constant 19 : i32
        %lt3A_229 = arith.cmpi slt, %scan3A_79, %lt3A_228 : i32
        %convert_element_type3A_230 = arith.extui %lt3A_229 : i1 to i32
        %cond3A_231 = arith.constant 0 : i32
        %cond3A_232 = arith.cmpi ne, %convert_element_type3A_230, %cond3A_231 : i32
        scf.if %cond3A_232 {
          %add3A_234 = arith.constant 5 : i32
          %add3A_235 = arith.addi %add3A_205, %add3A_234 : i32
          %mul3A_236 = arith.constant 2000 : i32
          %mul3A_237 = arith.muli %add3A_235, %mul3A_236 : i32
          %add3A_238 = arith.addi %mul3A_0, %mul3A_237 : i32
          %dma_start3A_239 = tpu.memref_slice %arg5[%add3A_238] : memref<3200000xi32, #tpu.memory_space<hbm>> -> memref<2000xi32, #tpu.memory_space<hbm>>
          %dma_start3A_240 = tpu.memref_slice %arg5[%add3A_238] : memref<3200000xi32, #tpu.memory_space<hbm>> -> memref<2000xi32, #tpu.memory_space<hbm>>
          tpu.enqueue_dma source(%dma_start3A_240 : memref<2000xi32, #tpu.memory_space<hbm>>) target(%arg20 : memref<2000xi32, #tpu.memory_space<vmem>>) target_semaphore(%arg32 : memref<!tpu.dma_semaphore, #tpu.memory_space<semaphore_mem>>)
          %dma_start3A_241 = tpu.memref_slice %arg3[%add3A_238] : memref<3200000xf32, #tpu.memory_space<hbm>> -> memref<2000xf32, #tpu.memory_space<hbm>>
          %dma_start3A_242 = tpu.memref_slice %arg3[%add3A_238] : memref<3200000xf32, #tpu.memory_space<hbm>> -> memref<2000xf32, #tpu.memory_space<hbm>>
          tpu.enqueue_dma source(%dma_start3A_242 : memref<2000xf32, #tpu.memory_space<hbm>>) target(%arg21 : memref<2000xf32, #tpu.memory_space<vmem>>) target_semaphore(%arg32 : memref<!tpu.dma_semaphore, #tpu.memory_space<semaphore_mem>>)
        } else {
        }
        %scan3A_233 = arith.constant 0 : i32
        scf.yield %scan3A_233 : i32
      }
      %scan3A_48 = arith.constant 20 : i32
      %add3A_49 = arith.constant 0 : i32
      %add3A_50 = arith.addi %add3A_49, %mul3A_0 : i32
      %add3A_51 = arith.constant 190000 : i32
      %add3A_52 = arith.addi %add3A_50, %add3A_51 : i32
      %dma_wait3A_53 = tpu.memref_slice %arg6[%add3A_52] : memref<6400000xf32, #tpu.memory_space<hbm>> -> memref<2000xf32, #tpu.memory_space<hbm>>
      %dma_wait3A_54 = tpu.memref_slice %arg6[%add3A_52] : memref<6400000xf32, #tpu.memory_space<hbm>> -> memref<2000xf32, #tpu.memory_space<hbm>>
      tpu.wait_dma2 semaphore(%arg25 : memref<!tpu.dma_semaphore, #tpu.memory_space<semaphore_mem>>) src(%arg10 : memref<2000xf32, #tpu.memory_space<vmem>>) dst(%dma_wait3A_54 : memref<2000xf32, #tpu.memory_space<hbm>>)
      %add3A_55 = arith.constant 0 : i32
      %add3A_56 = arith.addi %add3A_55, %mul3A_0 : i32
      %add3A_57 = arith.constant 192000 : i32
      %add3A_58 = arith.addi %add3A_56, %add3A_57 : i32
      %dma_wait3A_59 = tpu.memref_slice %arg6[%add3A_58] : memref<6400000xf32, #tpu.memory_space<hbm>> -> memref<2000xf32, #tpu.memory_space<hbm>>
      %dma_wait3A_60 = tpu.memref_slice %arg6[%add3A_58] : memref<6400000xf32, #tpu.memory_space<hbm>> -> memref<2000xf32, #tpu.memory_space<hbm>>
      tpu.wait_dma2 semaphore(%arg27 : memref<!tpu.dma_semaphore, #tpu.memory_space<semaphore_mem>>) src(%arg13 : memref<2000xf32, #tpu.memory_space<vmem>>) dst(%dma_wait3A_60 : memref<2000xf32, #tpu.memory_space<hbm>>)
      %add3A_61 = arith.constant 0 : i32
      %add3A_62 = arith.addi %add3A_61, %mul3A_0 : i32
      %add3A_63 = arith.constant 194000 : i32
      %add3A_64 = arith.addi %add3A_62, %add3A_63 : i32
      %dma_wait3A_65 = tpu.memref_slice %arg6[%add3A_64] : memref<6400000xf32, #tpu.memory_space<hbm>> -> memref<2000xf32, #tpu.memory_space<hbm>>
      %dma_wait3A_66 = tpu.memref_slice %arg6[%add3A_64] : memref<6400000xf32, #tpu.memory_space<hbm>> -> memref<2000xf32, #tpu.memory_space<hbm>>
      tpu.wait_dma2 semaphore(%arg29 : memref<!tpu.dma_semaphore, #tpu.memory_space<semaphore_mem>>) src(%arg16 : memref<2000xf32, #tpu.memory_space<vmem>>) dst(%dma_wait3A_66 : memref<2000xf32, #tpu.memory_space<hbm>>)
      %add3A_67 = arith.constant 0 : i32
      %add3A_68 = arith.addi %add3A_67, %mul3A_0 : i32
      %add3A_69 = arith.constant 196000 : i32
      %add3A_70 = arith.addi %add3A_68, %add3A_69 : i32
      %dma_wait3A_71 = tpu.memref_slice %arg6[%add3A_70] : memref<6400000xf32, #tpu.memory_space<hbm>> -> memref<2000xf32, #tpu.memory_space<hbm>>
      %dma_wait3A_72 = tpu.memref_slice %arg6[%add3A_70] : memref<6400000xf32, #tpu.memory_space<hbm>> -> memref<2000xf32, #tpu.memory_space<hbm>>
      tpu.wait_dma2 semaphore(%arg31 : memref<!tpu.dma_semaphore, #tpu.memory_space<semaphore_mem>>) src(%arg19 : memref<2000xf32, #tpu.memory_space<vmem>>) dst(%dma_wait3A_72 : memref<2000xf32, #tpu.memory_space<hbm>>)
      %add3A_73 = arith.constant 0 : i32
      %add3A_74 = arith.addi %add3A_73, %mul3A_0 : i32
      %add3A_75 = arith.constant 198000 : i32
      %add3A_76 = arith.addi %add3A_74, %add3A_75 : i32
      %dma_wait3A_77 = tpu.memref_slice %arg6[%add3A_76] : memref<6400000xf32, #tpu.memory_space<hbm>> -> memref<2000xf32, #tpu.memory_space<hbm>>
      %dma_wait3A_78 = tpu.memref_slice %arg6[%add3A_76] : memref<6400000xf32, #tpu.memory_space<hbm>> -> memref<2000xf32, #tpu.memory_space<hbm>>
      tpu.wait_dma2 semaphore(%arg33 : memref<!tpu.dma_semaphore, #tpu.memory_space<semaphore_mem>>) src(%arg22 : memref<2000xf32, #tpu.memory_space<vmem>>) dst(%dma_wait3A_78 : memref<2000xf32, #tpu.memory_space<hbm>>)
    } else {
    }
    %eq3A_3 = arith.constant 1 : i32
    %eq3A_4 = arith.cmpi eq, %arg0, %eq3A_3 : i32
    %convert_element_type3A_5 = arith.extui %eq3A_4 : i1 to i32
    %cond3A_6 = arith.constant 0 : i32
    %cond3A_7 = arith.cmpi ne, %convert_element_type3A_5, %cond3A_6 : i32
    scf.if %cond3A_7 {
      %dma_start3A = arith.constant 100000 : i32
      %dma_start3A_8 = tpu.memref_slice %arg2[%dma_start3A] : memref<200000xf32, #tpu.memory_space<hbm>> -> memref<100000xf32, #tpu.memory_space<hbm>>
      %dma_start3A_9 = arith.constant 100000 : i32
      %dma_start3A_10 = tpu.memref_slice %arg2[%dma_start3A_9] : memref<200000xf32, #tpu.memory_space<hbm>> -> memref<100000xf32, #tpu.memory_space<hbm>>
      tpu.enqueue_dma source(%dma_start3A_10 : memref<100000xf32, #tpu.memory_space<hbm>>) target(%arg7 : memref<100000xf32, #tpu.memory_space<vmem>>) target_semaphore(%arg23 : memref<!tpu.dma_semaphore, #tpu.memory_space<semaphore_mem>>)
      %add3A = arith.constant 0 : i32
      %add3A_11 = arith.addi %mul3A_0, %add3A : i32
      %dma_start3A_12 = tpu.memref_slice %arg5[%add3A_11] : memref<3200000xi32, #tpu.memory_space<hbm>> -> memref<2000xi32, #tpu.memory_space<hbm>>
      %dma_start3A_13 = tpu.memref_slice %arg5[%add3A_11] : memref<3200000xi32, #tpu.memory_space<hbm>> -> memref<2000xi32, #tpu.memory_space<hbm>>
      tpu.enqueue_dma source(%dma_start3A_13 : memref<2000xi32, #tpu.memory_space<hbm>>) target(%arg8 : memref<2000xi32, #tpu.memory_space<vmem>>) target_semaphore(%arg24 : memref<!tpu.dma_semaphore, #tpu.memory_space<semaphore_mem>>)
      %dma_start3A_14 = tpu.memref_slice %arg4[%add3A_11] : memref<3200000xf32, #tpu.memory_space<hbm>> -> memref<2000xf32, #tpu.memory_space<hbm>>
      %dma_start3A_15 = tpu.memref_slice %arg4[%add3A_11] : memref<3200000xf32, #tpu.memory_space<hbm>> -> memref<2000xf32, #tpu.memory_space<hbm>>
      tpu.enqueue_dma source(%dma_start3A_15 : memref<2000xf32, #tpu.memory_space<hbm>>) target(%arg9 : memref<2000xf32, #tpu.memory_space<vmem>>) target_semaphore(%arg24 : memref<!tpu.dma_semaphore, #tpu.memory_space<semaphore_mem>>)
      %add3A_16 = arith.constant 2000 : i32
      %add3A_17 = arith.addi %mul3A_0, %add3A_16 : i32
      %dma_start3A_18 = tpu.memref_slice %arg5[%add3A_17] : memref<3200000xi32, #tpu.memory_space<hbm>> -> memref<2000xi32, #tpu.memory_space<hbm>>
      %dma_start3A_19 = tpu.memref_slice %arg5[%add3A_17] : memref<3200000xi32, #tpu.memory_space<hbm>> -> memref<2000xi32, #tpu.memory_space<hbm>>
      tpu.enqueue_dma source(%dma_start3A_19 : memref<2000xi32, #tpu.memory_space<hbm>>) target(%arg11 : memref<2000xi32, #tpu.memory_space<vmem>>) target_semaphore(%arg26 : memref<!tpu.dma_semaphore, #tpu.memory_space<semaphore_mem>>)
      %dma_start3A_20 = tpu.memref_slice %arg4[%add3A_17] : memref<3200000xf32, #tpu.memory_space<hbm>> -> memref<2000xf32, #tpu.memory_space<hbm>>
      %dma_start3A_21 = tpu.memref_slice %arg4[%add3A_17] : memref<3200000xf32, #tpu.memory_space<hbm>> -> memref<2000xf32, #tpu.memory_space<hbm>>
      tpu.enqueue_dma source(%dma_start3A_21 : memref<2000xf32, #tpu.memory_space<hbm>>) target(%arg12 : memref<2000xf32, #tpu.memory_space<vmem>>) target_semaphore(%arg26 : memref<!tpu.dma_semaphore, #tpu.memory_space<semaphore_mem>>)
      %add3A_22 = arith.constant 4000 : i32
      %add3A_23 = arith.addi %mul3A_0, %add3A_22 : i32
      %dma_start3A_24 = tpu.memref_slice %arg5[%add3A_23] : memref<3200000xi32, #tpu.memory_space<hbm>> -> memref<2000xi32, #tpu.memory_space<hbm>>
      %dma_start3A_25 = tpu.memref_slice %arg5[%add3A_23] : memref<3200000xi32, #tpu.memory_space<hbm>> -> memref<2000xi32, #tpu.memory_space<hbm>>
      tpu.enqueue_dma source(%dma_start3A_25 : memref<2000xi32, #tpu.memory_space<hbm>>) target(%arg14 : memref<2000xi32, #tpu.memory_space<vmem>>) target_semaphore(%arg28 : memref<!tpu.dma_semaphore, #tpu.memory_space<semaphore_mem>>)
      %dma_start3A_26 = tpu.memref_slice %arg4[%add3A_23] : memref<3200000xf32, #tpu.memory_space<hbm>> -> memref<2000xf32, #tpu.memory_space<hbm>>
      %dma_start3A_27 = tpu.memref_slice %arg4[%add3A_23] : memref<3200000xf32, #tpu.memory_space<hbm>> -> memref<2000xf32, #tpu.memory_space<hbm>>
      tpu.enqueue_dma source(%dma_start3A_27 : memref<2000xf32, #tpu.memory_space<hbm>>) target(%arg15 : memref<2000xf32, #tpu.memory_space<vmem>>) target_semaphore(%arg28 : memref<!tpu.dma_semaphore, #tpu.memory_space<semaphore_mem>>)
      %add3A_28 = arith.constant 6000 : i32
      %add3A_29 = arith.addi %mul3A_0, %add3A_28 : i32
      %dma_start3A_30 = tpu.memref_slice %arg5[%add3A_29] : memref<3200000xi32, #tpu.memory_space<hbm>> -> memref<2000xi32, #tpu.memory_space<hbm>>
      %dma_start3A_31 = tpu.memref_slice %arg5[%add3A_29] : memref<3200000xi32, #tpu.memory_space<hbm>> -> memref<2000xi32, #tpu.memory_space<hbm>>
      tpu.enqueue_dma source(%dma_start3A_31 : memref<2000xi32, #tpu.memory_space<hbm>>) target(%arg17 : memref<2000xi32, #tpu.memory_space<vmem>>) target_semaphore(%arg30 : memref<!tpu.dma_semaphore, #tpu.memory_space<semaphore_mem>>)
      %dma_start3A_32 = tpu.memref_slice %arg4[%add3A_29] : memref<3200000xf32, #tpu.memory_space<hbm>> -> memref<2000xf32, #tpu.memory_space<hbm>>
      %dma_start3A_33 = tpu.memref_slice %arg4[%add3A_29] : memref<3200000xf32, #tpu.memory_space<hbm>> -> memref<2000xf32, #tpu.memory_space<hbm>>
      tpu.enqueue_dma source(%dma_start3A_33 : memref<2000xf32, #tpu.memory_space<hbm>>) target(%arg18 : memref<2000xf32, #tpu.memory_space<vmem>>) target_semaphore(%arg30 : memref<!tpu.dma_semaphore, #tpu.memory_space<semaphore_mem>>)
      %add3A_34 = arith.constant 8000 : i32
      %add3A_35 = arith.addi %mul3A_0, %add3A_34 : i32
      %dma_start3A_36 = tpu.memref_slice %arg5[%add3A_35] : memref<3200000xi32, #tpu.memory_space<hbm>> -> memref<2000xi32, #tpu.memory_space<hbm>>
      %dma_start3A_37 = tpu.memref_slice %arg5[%add3A_35] : memref<3200000xi32, #tpu.memory_space<hbm>> -> memref<2000xi32, #tpu.memory_space<hbm>>
      tpu.enqueue_dma source(%dma_start3A_37 : memref<2000xi32, #tpu.memory_space<hbm>>) target(%arg20 : memref<2000xi32, #tpu.memory_space<vmem>>) target_semaphore(%arg32 : memref<!tpu.dma_semaphore, #tpu.memory_space<semaphore_mem>>)
      %dma_start3A_38 = tpu.memref_slice %arg4[%add3A_35] : memref<3200000xf32, #tpu.memory_space<hbm>> -> memref<2000xf32, #tpu.memory_space<hbm>>
      %dma_start3A_39 = tpu.memref_slice %arg4[%add3A_35] : memref<3200000xf32, #tpu.memory_space<hbm>> -> memref<2000xf32, #tpu.memory_space<hbm>>
      tpu.enqueue_dma source(%dma_start3A_39 : memref<2000xf32, #tpu.memory_space<hbm>>) target(%arg21 : memref<2000xf32, #tpu.memory_space<vmem>>) target_semaphore(%arg32 : memref<!tpu.dma_semaphore, #tpu.memory_space<semaphore_mem>>)
      %dma_wait3A = arith.constant 100000 : i32
      %dma_wait3A_40 = tpu.memref_slice %arg2[%dma_wait3A] : memref<200000xf32, #tpu.memory_space<hbm>> -> memref<100000xf32, #tpu.memory_space<hbm>>
      %dma_wait3A_41 = arith.constant 100000 : i32
      %dma_wait3A_42 = tpu.memref_slice %arg2[%dma_wait3A_41] : memref<200000xf32, #tpu.memory_space<hbm>> -> memref<100000xf32, #tpu.memory_space<hbm>>
      tpu.wait_dma2 semaphore(%arg23 : memref<!tpu.dma_semaphore, #tpu.memory_space<semaphore_mem>>) src(%dma_wait3A_42 : memref<100000xf32, #tpu.memory_space<hbm>>) dst(%arg7 : memref<100000xf32, #tpu.memory_space<vmem>>)
      %scan3A = arith.constant 0 : i32
      %scan3A_43 = arith.constant 0 : i32
      %scan3A_44 = arith.constant 20 : i32
      %scan3A_45 = arith.addi %scan3A_43, %scan3A_44 : i32
      %scan3A_46 = arith.constant 1 : i32
      %scan3A_47 = scf.for %scan3A_79 = %scan3A_43 to %scan3A_45 step %scan3A_46 iter_args(%scan3A_80 = %scan3A) -> (i32)  : i32 {
        %mul3A_81 = arith.constant 5 : i32
        %mul3A_82 = arith.muli %scan3A_79, %mul3A_81 : i32
        %add3A_83 = arith.constant 0 : i32
        %add3A_84 = arith.addi %mul3A_82, %add3A_83 : i32
        %mul3A_85 = arith.constant 2000 : i32
        %mul3A_86 = arith.muli %add3A_84, %mul3A_85 : i32
        %add3A_87 = arith.addi %mul3A_0, %mul3A_86 : i32
        %dma_wait3A_88 = tpu.memref_slice %arg5[%add3A_87] : memref<3200000xi32, #tpu.memory_space<hbm>> -> memref<2000xi32, #tpu.memory_space<hbm>>
        %dma_wait3A_89 = tpu.memref_slice %arg5[%add3A_87] : memref<3200000xi32, #tpu.memory_space<hbm>> -> memref<2000xi32, #tpu.memory_space<hbm>>
        tpu.wait_dma2 semaphore(%arg24 : memref<!tpu.dma_semaphore, #tpu.memory_space<semaphore_mem>>) src(%dma_wait3A_89 : memref<2000xi32, #tpu.memory_space<hbm>>) dst(%arg8 : memref<2000xi32, #tpu.memory_space<vmem>>)
        %dma_wait3A_90 = tpu.memref_slice %arg4[%add3A_87] : memref<3200000xf32, #tpu.memory_space<hbm>> -> memref<2000xf32, #tpu.memory_space<hbm>>
        %dma_wait3A_91 = tpu.memref_slice %arg4[%add3A_87] : memref<3200000xf32, #tpu.memory_space<hbm>> -> memref<2000xf32, #tpu.memory_space<hbm>>
        tpu.wait_dma2 semaphore(%arg24 : memref<!tpu.dma_semaphore, #tpu.memory_space<semaphore_mem>>) src(%dma_wait3A_91 : memref<2000xf32, #tpu.memory_space<hbm>>) dst(%arg9 : memref<2000xf32, #tpu.memory_space<vmem>>)
        %gt3A = arith.constant 0 : i32
        %gt3A_92 = arith.cmpi sgt, %scan3A_79, %gt3A : i32
        %convert_element_type3A_93 = arith.extui %gt3A_92 : i1 to i32
        %cond3A_94 = arith.constant 0 : i32
        %cond3A_95 = arith.cmpi ne, %convert_element_type3A_93, %cond3A_94 : i32
        scf.if %cond3A_95 {
          %add3A_234 = arith.constant 3200000 : i32
          %add3A_235 = arith.addi %add3A_234, %mul3A_0 : i32
          %sub3A = arith.constant 5 : i32
          %sub3A_236 = arith.subi %add3A_84, %sub3A : i32
          %mul3A_237 = arith.constant 2000 : i32
          %mul3A_238 = arith.muli %sub3A_236, %mul3A_237 : i32
          %add3A_239 = arith.addi %add3A_235, %mul3A_238 : i32
          %dma_wait3A_240 = tpu.memref_slice %arg6[%add3A_239] : memref<6400000xf32, #tpu.memory_space<hbm>> -> memref<2000xf32, #tpu.memory_space<hbm>>
          %dma_wait3A_241 = tpu.memref_slice %arg6[%add3A_239] : memref<6400000xf32, #tpu.memory_space<hbm>> -> memref<2000xf32, #tpu.memory_space<hbm>>
          tpu.wait_dma2 semaphore(%arg25 : memref<!tpu.dma_semaphore, #tpu.memory_space<semaphore_mem>>) src(%arg10 : memref<2000xf32, #tpu.memory_space<vmem>>) dst(%dma_wait3A_241 : memref<2000xf32, #tpu.memory_space<hbm>>)
        } else {
        }
        %parallel_loop3A = arith.constant 0 : i32
        %parallel_loop3A_96 = arith.constant 2000 : i32
        %parallel_loop3A_97 = arith.constant 16 : i32
        scf.for %parallel_loop3A_234 = %parallel_loop3A to %parallel_loop3A_96 step %parallel_loop3A_97  : i32 {
          %parallel_loop3A_235 = arith.index_cast %parallel_loop3A_234 : i32 to index
          %parallel_loop3A_236 = tpu.vector_load %arg9[%parallel_loop3A_235] {strides = array<i32>} : memref<2000xf32, #tpu.memory_space<vmem>>, vector<16xf32>,
          %parallel_loop3A_237 = arith.index_cast %parallel_loop3A_234 : i32 to index
          %parallel_loop3A_238 = tpu.vector_load %arg8[%parallel_loop3A_237] {strides = array<i32>} : memref<2000xi32, #tpu.memory_space<vmem>>, vector<16xi32>,
          %parallel_loop3A_239 = tpu.vector_load_idx %arg7[%parallel_loop3A_238] : memref<100000xf32, #tpu.memory_space<vmem>>[vector<16xi32>], vector<16xf32>,
          %parallel_loop3A_240 = arith.addf %parallel_loop3A_236, %parallel_loop3A_239 : vector<16xf32>
          %parallel_loop3A_241 = arith.index_cast %parallel_loop3A_234 : i32 to index
          %parallel_loop3A_242 = tpu.vector_load %arg10[%parallel_loop3A_241] {strides = array<i32>} : memref<2000xf32, #tpu.memory_space<vmem>>, vector<16xf32>,
          tpu.vector_store %arg10[%parallel_loop3A_241], %parallel_loop3A_240 {strides = array<i32>} : memref<2000xf32, #tpu.memory_space<vmem>>, vector<16xf32>,
        } {sc.loop_unroll_factor = 8 : i64, sc.parallel_access}
        %add3A_98 = arith.constant 3200000 : i32
        %add3A_99 = arith.addi %add3A_98, %mul3A_0 : i32
        %mul3A_100 = arith.constant 2000 : i32
        %mul3A_101 = arith.muli %add3A_84, %mul3A_100 : i32
        %add3A_102 = arith.addi %add3A_99, %mul3A_101 : i32
        %dma_start3A_103 = tpu.memref_slice %arg6[%add3A_102] : memref<6400000xf32, #tpu.memory_space<hbm>> -> memref<2000xf32, #tpu.memory_space<hbm>>
        %dma_start3A_104 = tpu.memref_slice %arg6[%add3A_102] : memref<6400000xf32, #tpu.memory_space<hbm>> -> memref<2000xf32, #tpu.memory_space<hbm>>
        tpu.enqueue_dma source(%arg10 : memref<2000xf32, #tpu.memory_space<vmem>>) target(%dma_start3A_104 : memref<2000xf32, #tpu.memory_space<hbm>>) target_semaphore(%arg25 : memref<!tpu.dma_semaphore, #tpu.memory_space<semaphore_mem>>)
        %lt3A = arith.constant 19 : i32
        %lt3A_105 = arith.cmpi slt, %scan3A_79, %lt3A : i32
        %convert_element_type3A_106 = arith.extui %lt3A_105 : i1 to i32
        %cond3A_107 = arith.constant 0 : i32
        %cond3A_108 = arith.cmpi ne, %convert_element_type3A_106, %cond3A_107 : i32
        scf.if %cond3A_108 {
          %add3A_234 = arith.constant 5 : i32
          %add3A_235 = arith.addi %add3A_84, %add3A_234 : i32
          %mul3A_236 = arith.constant 2000 : i32
          %mul3A_237 = arith.muli %add3A_235, %mul3A_236 : i32
          %add3A_238 = arith.addi %mul3A_0, %mul3A_237 : i32
          %dma_start3A_239 = tpu.memref_slice %arg5[%add3A_238] : memref<3200000xi32, #tpu.memory_space<hbm>> -> memref<2000xi32, #tpu.memory_space<hbm>>
          %dma_start3A_240 = tpu.memref_slice %arg5[%add3A_238] : memref<3200000xi32, #tpu.memory_space<hbm>> -> memref<2000xi32, #tpu.memory_space<hbm>>
          tpu.enqueue_dma source(%dma_start3A_240 : memref<2000xi32, #tpu.memory_space<hbm>>) target(%arg8 : memref<2000xi32, #tpu.memory_space<vmem>>) target_semaphore(%arg24 : memref<!tpu.dma_semaphore, #tpu.memory_space<semaphore_mem>>)
          %dma_start3A_241 = tpu.memref_slice %arg4[%add3A_238] : memref<3200000xf32, #tpu.memory_space<hbm>> -> memref<2000xf32, #tpu.memory_space<hbm>>
          %dma_start3A_242 = tpu.memref_slice %arg4[%add3A_238] : memref<3200000xf32, #tpu.memory_space<hbm>> -> memref<2000xf32, #tpu.memory_space<hbm>>
          tpu.enqueue_dma source(%dma_start3A_242 : memref<2000xf32, #tpu.memory_space<hbm>>) target(%arg9 : memref<2000xf32, #tpu.memory_space<vmem>>) target_semaphore(%arg24 : memref<!tpu.dma_semaphore, #tpu.memory_space<semaphore_mem>>)
        } else {
        }
        %mul3A_109 = arith.constant 5 : i32
        %mul3A_110 = arith.muli %scan3A_79, %mul3A_109 : i32
        %add3A_111 = arith.constant 1 : i32
        %add3A_112 = arith.addi %mul3A_110, %add3A_111 : i32
        %mul3A_113 = arith.constant 2000 : i32
        %mul3A_114 = arith.muli %add3A_112, %mul3A_113 : i32
        %add3A_115 = arith.addi %mul3A_0, %mul3A_114 : i32
        %dma_wait3A_116 = tpu.memref_slice %arg5[%add3A_115] : memref<3200000xi32, #tpu.memory_space<hbm>> -> memref<2000xi32, #tpu.memory_space<hbm>>
        %dma_wait3A_117 = tpu.memref_slice %arg5[%add3A_115] : memref<3200000xi32, #tpu.memory_space<hbm>> -> memref<2000xi32, #tpu.memory_space<hbm>>
        tpu.wait_dma2 semaphore(%arg26 : memref<!tpu.dma_semaphore, #tpu.memory_space<semaphore_mem>>) src(%dma_wait3A_117 : memref<2000xi32, #tpu.memory_space<hbm>>) dst(%arg11 : memref<2000xi32, #tpu.memory_space<vmem>>)
        %dma_wait3A_118 = tpu.memref_slice %arg4[%add3A_115] : memref<3200000xf32, #tpu.memory_space<hbm>> -> memref<2000xf32, #tpu.memory_space<hbm>>
        %dma_wait3A_119 = tpu.memref_slice %arg4[%add3A_115] : memref<3200000xf32, #tpu.memory_space<hbm>> -> memref<2000xf32, #tpu.memory_space<hbm>>
        tpu.wait_dma2 semaphore(%arg26 : memref<!tpu.dma_semaphore, #tpu.memory_space<semaphore_mem>>) src(%dma_wait3A_119 : memref<2000xf32, #tpu.memory_space<hbm>>) dst(%arg12 : memref<2000xf32, #tpu.memory_space<vmem>>)
        %gt3A_120 = arith.constant 0 : i32
        %gt3A_121 = arith.cmpi sgt, %scan3A_79, %gt3A_120 : i32
        %convert_element_type3A_122 = arith.extui %gt3A_121 : i1 to i32
        %cond3A_123 = arith.constant 0 : i32
        %cond3A_124 = arith.cmpi ne, %convert_element_type3A_122, %cond3A_123 : i32
        scf.if %cond3A_124 {
          %add3A_234 = arith.constant 3200000 : i32
          %add3A_235 = arith.addi %add3A_234, %mul3A_0 : i32
          %sub3A = arith.constant 5 : i32
          %sub3A_236 = arith.subi %add3A_112, %sub3A : i32
          %mul3A_237 = arith.constant 2000 : i32
          %mul3A_238 = arith.muli %sub3A_236, %mul3A_237 : i32
          %add3A_239 = arith.addi %add3A_235, %mul3A_238 : i32
          %dma_wait3A_240 = tpu.memref_slice %arg6[%add3A_239] : memref<6400000xf32, #tpu.memory_space<hbm>> -> memref<2000xf32, #tpu.memory_space<hbm>>
          %dma_wait3A_241 = tpu.memref_slice %arg6[%add3A_239] : memref<6400000xf32, #tpu.memory_space<hbm>> -> memref<2000xf32, #tpu.memory_space<hbm>>
          tpu.wait_dma2 semaphore(%arg27 : memref<!tpu.dma_semaphore, #tpu.memory_space<semaphore_mem>>) src(%arg13 : memref<2000xf32, #tpu.memory_space<vmem>>) dst(%dma_wait3A_241 : memref<2000xf32, #tpu.memory_space<hbm>>)
        } else {
        }
        %parallel_loop3A_125 = arith.constant 0 : i32
        %parallel_loop3A_126 = arith.constant 2000 : i32
        %parallel_loop3A_127 = arith.constant 16 : i32
        scf.for %parallel_loop3A_234 = %parallel_loop3A_125 to %parallel_loop3A_126 step %parallel_loop3A_127  : i32 {
          %parallel_loop3A_235 = arith.index_cast %parallel_loop3A_234 : i32 to index
          %parallel_loop3A_236 = tpu.vector_load %arg12[%parallel_loop3A_235] {strides = array<i32>} : memref<2000xf32, #tpu.memory_space<vmem>>, vector<16xf32>,
          %parallel_loop3A_237 = arith.index_cast %parallel_loop3A_234 : i32 to index
          %parallel_loop3A_238 = tpu.vector_load %arg11[%parallel_loop3A_237] {strides = array<i32>} : memref<2000xi32, #tpu.memory_space<vmem>>, vector<16xi32>,
          %parallel_loop3A_239 = tpu.vector_load_idx %arg7[%parallel_loop3A_238] : memref<100000xf32, #tpu.memory_space<vmem>>[vector<16xi32>], vector<16xf32>,
          %parallel_loop3A_240 = arith.addf %parallel_loop3A_236, %parallel_loop3A_239 : vector<16xf32>
          %parallel_loop3A_241 = arith.index_cast %parallel_loop3A_234 : i32 to index
          %parallel_loop3A_242 = tpu.vector_load %arg13[%parallel_loop3A_241] {strides = array<i32>} : memref<2000xf32, #tpu.memory_space<vmem>>, vector<16xf32>,
          tpu.vector_store %arg13[%parallel_loop3A_241], %parallel_loop3A_240 {strides = array<i32>} : memref<2000xf32, #tpu.memory_space<vmem>>, vector<16xf32>,
        } {sc.loop_unroll_factor = 8 : i64, sc.parallel_access}
        %add3A_128 = arith.constant 3200000 : i32
        %add3A_129 = arith.addi %add3A_128, %mul3A_0 : i32
        %mul3A_130 = arith.constant 2000 : i32
        %mul3A_131 = arith.muli %add3A_112, %mul3A_130 : i32
        %add3A_132 = arith.addi %add3A_129, %mul3A_131 : i32
        %dma_start3A_133 = tpu.memref_slice %arg6[%add3A_132] : memref<6400000xf32, #tpu.memory_space<hbm>> -> memref<2000xf32, #tpu.memory_space<hbm>>
        %dma_start3A_134 = tpu.memref_slice %arg6[%add3A_132] : memref<6400000xf32, #tpu.memory_space<hbm>> -> memref<2000xf32, #tpu.memory_space<hbm>>
        tpu.enqueue_dma source(%arg13 : memref<2000xf32, #tpu.memory_space<vmem>>) target(%dma_start3A_134 : memref<2000xf32, #tpu.memory_space<hbm>>) target_semaphore(%arg27 : memref<!tpu.dma_semaphore, #tpu.memory_space<semaphore_mem>>)
        %lt3A_135 = arith.constant 19 : i32
        %lt3A_136 = arith.cmpi slt, %scan3A_79, %lt3A_135 : i32
        %convert_element_type3A_137 = arith.extui %lt3A_136 : i1 to i32
        %cond3A_138 = arith.constant 0 : i32
        %cond3A_139 = arith.cmpi ne, %convert_element_type3A_137, %cond3A_138 : i32
        scf.if %cond3A_139 {
          %add3A_234 = arith.constant 5 : i32
          %add3A_235 = arith.addi %add3A_112, %add3A_234 : i32
          %mul3A_236 = arith.constant 2000 : i32
          %mul3A_237 = arith.muli %add3A_235, %mul3A_236 : i32
          %add3A_238 = arith.addi %mul3A_0, %mul3A_237 : i32
          %dma_start3A_239 = tpu.memref_slice %arg5[%add3A_238] : memref<3200000xi32, #tpu.memory_space<hbm>> -> memref<2000xi32, #tpu.memory_space<hbm>>
          %dma_start3A_240 = tpu.memref_slice %arg5[%add3A_238] : memref<3200000xi32, #tpu.memory_space<hbm>> -> memref<2000xi32, #tpu.memory_space<hbm>>
          tpu.enqueue_dma source(%dma_start3A_240 : memref<2000xi32, #tpu.memory_space<hbm>>) target(%arg11 : memref<2000xi32, #tpu.memory_space<vmem>>) target_semaphore(%arg26 : memref<!tpu.dma_semaphore, #tpu.memory_space<semaphore_mem>>)
          %dma_start3A_241 = tpu.memref_slice %arg4[%add3A_238] : memref<3200000xf32, #tpu.memory_space<hbm>> -> memref<2000xf32, #tpu.memory_space<hbm>>
          %dma_start3A_242 = tpu.memref_slice %arg4[%add3A_238] : memref<3200000xf32, #tpu.memory_space<hbm>> -> memref<2000xf32, #tpu.memory_space<hbm>>
          tpu.enqueue_dma source(%dma_start3A_242 : memref<2000xf32, #tpu.memory_space<hbm>>) target(%arg12 : memref<2000xf32, #tpu.memory_space<vmem>>) target_semaphore(%arg26 : memref<!tpu.dma_semaphore, #tpu.memory_space<semaphore_mem>>)
        } else {
        }
        %mul3A_140 = arith.constant 5 : i32
        %mul3A_141 = arith.muli %scan3A_79, %mul3A_140 : i32
        %add3A_142 = arith.constant 2 : i32
        %add3A_143 = arith.addi %mul3A_141, %add3A_142 : i32
        %mul3A_144 = arith.constant 2000 : i32
        %mul3A_145 = arith.muli %add3A_143, %mul3A_144 : i32
        %add3A_146 = arith.addi %mul3A_0, %mul3A_145 : i32
        %dma_wait3A_147 = tpu.memref_slice %arg5[%add3A_146] : memref<3200000xi32, #tpu.memory_space<hbm>> -> memref<2000xi32, #tpu.memory_space<hbm>>
        %dma_wait3A_148 = tpu.memref_slice %arg5[%add3A_146] : memref<3200000xi32, #tpu.memory_space<hbm>> -> memref<2000xi32, #tpu.memory_space<hbm>>
        tpu.wait_dma2 semaphore(%arg28 : memref<!tpu.dma_semaphore, #tpu.memory_space<semaphore_mem>>) src(%dma_wait3A_148 : memref<2000xi32, #tpu.memory_space<hbm>>) dst(%arg14 : memref<2000xi32, #tpu.memory_space<vmem>>)
        %dma_wait3A_149 = tpu.memref_slice %arg4[%add3A_146] : memref<3200000xf32, #tpu.memory_space<hbm>> -> memref<2000xf32, #tpu.memory_space<hbm>>
        %dma_wait3A_150 = tpu.memref_slice %arg4[%add3A_146] : memref<3200000xf32, #tpu.memory_space<hbm>> -> memref<2000xf32, #tpu.memory_space<hbm>>
        tpu.wait_dma2 semaphore(%arg28 : memref<!tpu.dma_semaphore, #tpu.memory_space<semaphore_mem>>) src(%dma_wait3A_150 : memref<2000xf32, #tpu.memory_space<hbm>>) dst(%arg15 : memref<2000xf32, #tpu.memory_space<vmem>>)
        %gt3A_151 = arith.constant 0 : i32
        %gt3A_152 = arith.cmpi sgt, %scan3A_79, %gt3A_151 : i32
        %convert_element_type3A_153 = arith.extui %gt3A_152 : i1 to i32
        %cond3A_154 = arith.constant 0 : i32
        %cond3A_155 = arith.cmpi ne, %convert_element_type3A_153, %cond3A_154 : i32
        scf.if %cond3A_155 {
          %add3A_234 = arith.constant 3200000 : i32
          %add3A_235 = arith.addi %add3A_234, %mul3A_0 : i32
          %sub3A = arith.constant 5 : i32
          %sub3A_236 = arith.subi %add3A_143, %sub3A : i32
          %mul3A_237 = arith.constant 2000 : i32
          %mul3A_238 = arith.muli %sub3A_236, %mul3A_237 : i32
          %add3A_239 = arith.addi %add3A_235, %mul3A_238 : i32
          %dma_wait3A_240 = tpu.memref_slice %arg6[%add3A_239] : memref<6400000xf32, #tpu.memory_space<hbm>> -> memref<2000xf32, #tpu.memory_space<hbm>>
          %dma_wait3A_241 = tpu.memref_slice %arg6[%add3A_239] : memref<6400000xf32, #tpu.memory_space<hbm>> -> memref<2000xf32, #tpu.memory_space<hbm>>
          tpu.wait_dma2 semaphore(%arg29 : memref<!tpu.dma_semaphore, #tpu.memory_space<semaphore_mem>>) src(%arg16 : memref<2000xf32, #tpu.memory_space<vmem>>) dst(%dma_wait3A_241 : memref<2000xf32, #tpu.memory_space<hbm>>)
        } else {
        }
        %parallel_loop3A_156 = arith.constant 0 : i32
        %parallel_loop3A_157 = arith.constant 2000 : i32
        %parallel_loop3A_158 = arith.constant 16 : i32
        scf.for %parallel_loop3A_234 = %parallel_loop3A_156 to %parallel_loop3A_157 step %parallel_loop3A_158  : i32 {
          %parallel_loop3A_235 = arith.index_cast %parallel_loop3A_234 : i32 to index
          %parallel_loop3A_236 = tpu.vector_load %arg15[%parallel_loop3A_235] {strides = array<i32>} : memref<2000xf32, #tpu.memory_space<vmem>>, vector<16xf32>,
          %parallel_loop3A_237 = arith.index_cast %parallel_loop3A_234 : i32 to index
          %parallel_loop3A_238 = tpu.vector_load %arg14[%parallel_loop3A_237] {strides = array<i32>} : memref<2000xi32, #tpu.memory_space<vmem>>, vector<16xi32>,
          %parallel_loop3A_239 = tpu.vector_load_idx %arg7[%parallel_loop3A_238] : memref<100000xf32, #tpu.memory_space<vmem>>[vector<16xi32>], vector<16xf32>,
          %parallel_loop3A_240 = arith.addf %parallel_loop3A_236, %parallel_loop3A_239 : vector<16xf32>
          %parallel_loop3A_241 = arith.index_cast %parallel_loop3A_234 : i32 to index
          %parallel_loop3A_242 = tpu.vector_load %arg16[%parallel_loop3A_241] {strides = array<i32>} : memref<2000xf32, #tpu.memory_space<vmem>>, vector<16xf32>,
          tpu.vector_store %arg16[%parallel_loop3A_241], %parallel_loop3A_240 {strides = array<i32>} : memref<2000xf32, #tpu.memory_space<vmem>>, vector<16xf32>,
        } {sc.loop_unroll_factor = 8 : i64, sc.parallel_access}
        %add3A_159 = arith.constant 3200000 : i32
        %add3A_160 = arith.addi %add3A_159, %mul3A_0 : i32
        %mul3A_161 = arith.constant 2000 : i32
        %mul3A_162 = arith.muli %add3A_143, %mul3A_161 : i32
        %add3A_163 = arith.addi %add3A_160, %mul3A_162 : i32
        %dma_start3A_164 = tpu.memref_slice %arg6[%add3A_163] : memref<6400000xf32, #tpu.memory_space<hbm>> -> memref<2000xf32, #tpu.memory_space<hbm>>
        %dma_start3A_165 = tpu.memref_slice %arg6[%add3A_163] : memref<6400000xf32, #tpu.memory_space<hbm>> -> memref<2000xf32, #tpu.memory_space<hbm>>
        tpu.enqueue_dma source(%arg16 : memref<2000xf32, #tpu.memory_space<vmem>>) target(%dma_start3A_165 : memref<2000xf32, #tpu.memory_space<hbm>>) target_semaphore(%arg29 : memref<!tpu.dma_semaphore, #tpu.memory_space<semaphore_mem>>)
        %lt3A_166 = arith.constant 19 : i32
        %lt3A_167 = arith.cmpi slt, %scan3A_79, %lt3A_166 : i32
        %convert_element_type3A_168 = arith.extui %lt3A_167 : i1 to i32
        %cond3A_169 = arith.constant 0 : i32
        %cond3A_170 = arith.cmpi ne, %convert_element_type3A_168, %cond3A_169 : i32
        scf.if %cond3A_170 {
          %add3A_234 = arith.constant 5 : i32
          %add3A_235 = arith.addi %add3A_143, %add3A_234 : i32
          %mul3A_236 = arith.constant 2000 : i32
          %mul3A_237 = arith.muli %add3A_235, %mul3A_236 : i32
          %add3A_238 = arith.addi %mul3A_0, %mul3A_237 : i32
          %dma_start3A_239 = tpu.memref_slice %arg5[%add3A_238] : memref<3200000xi32, #tpu.memory_space<hbm>> -> memref<2000xi32, #tpu.memory_space<hbm>>
          %dma_start3A_240 = tpu.memref_slice %arg5[%add3A_238] : memref<3200000xi32, #tpu.memory_space<hbm>> -> memref<2000xi32, #tpu.memory_space<hbm>>
          tpu.enqueue_dma source(%dma_start3A_240 : memref<2000xi32, #tpu.memory_space<hbm>>) target(%arg14 : memref<2000xi32, #tpu.memory_space<vmem>>) target_semaphore(%arg28 : memref<!tpu.dma_semaphore, #tpu.memory_space<semaphore_mem>>)
          %dma_start3A_241 = tpu.memref_slice %arg4[%add3A_238] : memref<3200000xf32, #tpu.memory_space<hbm>> -> memref<2000xf32, #tpu.memory_space<hbm>>
          %dma_start3A_242 = tpu.memref_slice %arg4[%add3A_238] : memref<3200000xf32, #tpu.memory_space<hbm>> -> memref<2000xf32, #tpu.memory_space<hbm>>
          tpu.enqueue_dma source(%dma_start3A_242 : memref<2000xf32, #tpu.memory_space<hbm>>) target(%arg15 : memref<2000xf32, #tpu.memory_space<vmem>>) target_semaphore(%arg28 : memref<!tpu.dma_semaphore, #tpu.memory_space<semaphore_mem>>)
        } else {
        }
        %mul3A_171 = arith.constant 5 : i32
        %mul3A_172 = arith.muli %scan3A_79, %mul3A_171 : i32
        %add3A_173 = arith.constant 3 : i32
        %add3A_174 = arith.addi %mul3A_172, %add3A_173 : i32
        %mul3A_175 = arith.constant 2000 : i32
        %mul3A_176 = arith.muli %add3A_174, %mul3A_175 : i32
        %add3A_177 = arith.addi %mul3A_0, %mul3A_176 : i32
        %dma_wait3A_178 = tpu.memref_slice %arg5[%add3A_177] : memref<3200000xi32, #tpu.memory_space<hbm>> -> memref<2000xi32, #tpu.memory_space<hbm>>
        %dma_wait3A_179 = tpu.memref_slice %arg5[%add3A_177] : memref<3200000xi32, #tpu.memory_space<hbm>> -> memref<2000xi32, #tpu.memory_space<hbm>>
        tpu.wait_dma2 semaphore(%arg30 : memref<!tpu.dma_semaphore, #tpu.memory_space<semaphore_mem>>) src(%dma_wait3A_179 : memref<2000xi32, #tpu.memory_space<hbm>>) dst(%arg17 : memref<2000xi32, #tpu.memory_space<vmem>>)
        %dma_wait3A_180 = tpu.memref_slice %arg4[%add3A_177] : memref<3200000xf32, #tpu.memory_space<hbm>> -> memref<2000xf32, #tpu.memory_space<hbm>>
        %dma_wait3A_181 = tpu.memref_slice %arg4[%add3A_177] : memref<3200000xf32, #tpu.memory_space<hbm>> -> memref<2000xf32, #tpu.memory_space<hbm>>
        tpu.wait_dma2 semaphore(%arg30 : memref<!tpu.dma_semaphore, #tpu.memory_space<semaphore_mem>>) src(%dma_wait3A_181 : memref<2000xf32, #tpu.memory_space<hbm>>) dst(%arg18 : memref<2000xf32, #tpu.memory_space<vmem>>)
        %gt3A_182 = arith.constant 0 : i32
        %gt3A_183 = arith.cmpi sgt, %scan3A_79, %gt3A_182 : i32
        %convert_element_type3A_184 = arith.extui %gt3A_183 : i1 to i32
        %cond3A_185 = arith.constant 0 : i32
        %cond3A_186 = arith.cmpi ne, %convert_element_type3A_184, %cond3A_185 : i32
        scf.if %cond3A_186 {
          %add3A_234 = arith.constant 3200000 : i32
          %add3A_235 = arith.addi %add3A_234, %mul3A_0 : i32
          %sub3A = arith.constant 5 : i32
          %sub3A_236 = arith.subi %add3A_174, %sub3A : i32
          %mul3A_237 = arith.constant 2000 : i32
          %mul3A_238 = arith.muli %sub3A_236, %mul3A_237 : i32
          %add3A_239 = arith.addi %add3A_235, %mul3A_238 : i32
          %dma_wait3A_240 = tpu.memref_slice %arg6[%add3A_239] : memref<6400000xf32, #tpu.memory_space<hbm>> -> memref<2000xf32, #tpu.memory_space<hbm>>
          %dma_wait3A_241 = tpu.memref_slice %arg6[%add3A_239] : memref<6400000xf32, #tpu.memory_space<hbm>> -> memref<2000xf32, #tpu.memory_space<hbm>>
          tpu.wait_dma2 semaphore(%arg31 : memref<!tpu.dma_semaphore, #tpu.memory_space<semaphore_mem>>) src(%arg19 : memref<2000xf32, #tpu.memory_space<vmem>>) dst(%dma_wait3A_241 : memref<2000xf32, #tpu.memory_space<hbm>>)
        } else {
        }
        %parallel_loop3A_187 = arith.constant 0 : i32
        %parallel_loop3A_188 = arith.constant 2000 : i32
        %parallel_loop3A_189 = arith.constant 16 : i32
        scf.for %parallel_loop3A_234 = %parallel_loop3A_187 to %parallel_loop3A_188 step %parallel_loop3A_189  : i32 {
          %parallel_loop3A_235 = arith.index_cast %parallel_loop3A_234 : i32 to index
          %parallel_loop3A_236 = tpu.vector_load %arg18[%parallel_loop3A_235] {strides = array<i32>} : memref<2000xf32, #tpu.memory_space<vmem>>, vector<16xf32>,
          %parallel_loop3A_237 = arith.index_cast %parallel_loop3A_234 : i32 to index
          %parallel_loop3A_238 = tpu.vector_load %arg17[%parallel_loop3A_237] {strides = array<i32>} : memref<2000xi32, #tpu.memory_space<vmem>>, vector<16xi32>,
          %parallel_loop3A_239 = tpu.vector_load_idx %arg7[%parallel_loop3A_238] : memref<100000xf32, #tpu.memory_space<vmem>>[vector<16xi32>], vector<16xf32>,
          %parallel_loop3A_240 = arith.addf %parallel_loop3A_236, %parallel_loop3A_239 : vector<16xf32>
          %parallel_loop3A_241 = arith.index_cast %parallel_loop3A_234 : i32 to index
          %parallel_loop3A_242 = tpu.vector_load %arg19[%parallel_loop3A_241] {strides = array<i32>} : memref<2000xf32, #tpu.memory_space<vmem>>, vector<16xf32>,
          tpu.vector_store %arg19[%parallel_loop3A_241], %parallel_loop3A_240 {strides = array<i32>} : memref<2000xf32, #tpu.memory_space<vmem>>, vector<16xf32>,
        } {sc.loop_unroll_factor = 8 : i64, sc.parallel_access}
        %add3A_190 = arith.constant 3200000 : i32
        %add3A_191 = arith.addi %add3A_190, %mul3A_0 : i32
        %mul3A_192 = arith.constant 2000 : i32
        %mul3A_193 = arith.muli %add3A_174, %mul3A_192 : i32
        %add3A_194 = arith.addi %add3A_191, %mul3A_193 : i32
        %dma_start3A_195 = tpu.memref_slice %arg6[%add3A_194] : memref<6400000xf32, #tpu.memory_space<hbm>> -> memref<2000xf32, #tpu.memory_space<hbm>>
        %dma_start3A_196 = tpu.memref_slice %arg6[%add3A_194] : memref<6400000xf32, #tpu.memory_space<hbm>> -> memref<2000xf32, #tpu.memory_space<hbm>>
        tpu.enqueue_dma source(%arg19 : memref<2000xf32, #tpu.memory_space<vmem>>) target(%dma_start3A_196 : memref<2000xf32, #tpu.memory_space<hbm>>) target_semaphore(%arg31 : memref<!tpu.dma_semaphore, #tpu.memory_space<semaphore_mem>>)
        %lt3A_197 = arith.constant 19 : i32
        %lt3A_198 = arith.cmpi slt, %scan3A_79, %lt3A_197 : i32
        %convert_element_type3A_199 = arith.extui %lt3A_198 : i1 to i32
        %cond3A_200 = arith.constant 0 : i32
        %cond3A_201 = arith.cmpi ne, %convert_element_type3A_199, %cond3A_200 : i32
        scf.if %cond3A_201 {
          %add3A_234 = arith.constant 5 : i32
          %add3A_235 = arith.addi %add3A_174, %add3A_234 : i32
          %mul3A_236 = arith.constant 2000 : i32
          %mul3A_237 = arith.muli %add3A_235, %mul3A_236 : i32
          %add3A_238 = arith.addi %mul3A_0, %mul3A_237 : i32
          %dma_start3A_239 = tpu.memref_slice %arg5[%add3A_238] : memref<3200000xi32, #tpu.memory_space<hbm>> -> memref<2000xi32, #tpu.memory_space<hbm>>
          %dma_start3A_240 = tpu.memref_slice %arg5[%add3A_238] : memref<3200000xi32, #tpu.memory_space<hbm>> -> memref<2000xi32, #tpu.memory_space<hbm>>
          tpu.enqueue_dma source(%dma_start3A_240 : memref<2000xi32, #tpu.memory_space<hbm>>) target(%arg17 : memref<2000xi32, #tpu.memory_space<vmem>>) target_semaphore(%arg30 : memref<!tpu.dma_semaphore, #tpu.memory_space<semaphore_mem>>)
          %dma_start3A_241 = tpu.memref_slice %arg4[%add3A_238] : memref<3200000xf32, #tpu.memory_space<hbm>> -> memref<2000xf32, #tpu.memory_space<hbm>>
          %dma_start3A_242 = tpu.memref_slice %arg4[%add3A_238] : memref<3200000xf32, #tpu.memory_space<hbm>> -> memref<2000xf32, #tpu.memory_space<hbm>>
          tpu.enqueue_dma source(%dma_start3A_242 : memref<2000xf32, #tpu.memory_space<hbm>>) target(%arg18 : memref<2000xf32, #tpu.memory_space<vmem>>) target_semaphore(%arg30 : memref<!tpu.dma_semaphore, #tpu.memory_space<semaphore_mem>>)
        } else {
        }
        %mul3A_202 = arith.constant 5 : i32
        %mul3A_203 = arith.muli %scan3A_79, %mul3A_202 : i32
        %add3A_204 = arith.constant 4 : i32
        %add3A_205 = arith.addi %mul3A_203, %add3A_204 : i32
        %mul3A_206 = arith.constant 2000 : i32
        %mul3A_207 = arith.muli %add3A_205, %mul3A_206 : i32
        %add3A_208 = arith.addi %mul3A_0, %mul3A_207 : i32
        %dma_wait3A_209 = tpu.memref_slice %arg5[%add3A_208] : memref<3200000xi32, #tpu.memory_space<hbm>> -> memref<2000xi32, #tpu.memory_space<hbm>>
        %dma_wait3A_210 = tpu.memref_slice %arg5[%add3A_208] : memref<3200000xi32, #tpu.memory_space<hbm>> -> memref<2000xi32, #tpu.memory_space<hbm>>
        tpu.wait_dma2 semaphore(%arg32 : memref<!tpu.dma_semaphore, #tpu.memory_space<semaphore_mem>>) src(%dma_wait3A_210 : memref<2000xi32, #tpu.memory_space<hbm>>) dst(%arg20 : memref<2000xi32, #tpu.memory_space<vmem>>)
        %dma_wait3A_211 = tpu.memref_slice %arg4[%add3A_208] : memref<3200000xf32, #tpu.memory_space<hbm>> -> memref<2000xf32, #tpu.memory_space<hbm>>
        %dma_wait3A_212 = tpu.memref_slice %arg4[%add3A_208] : memref<3200000xf32, #tpu.memory_space<hbm>> -> memref<2000xf32, #tpu.memory_space<hbm>>
        tpu.wait_dma2 semaphore(%arg32 : memref<!tpu.dma_semaphore, #tpu.memory_space<semaphore_mem>>) src(%dma_wait3A_212 : memref<2000xf32, #tpu.memory_space<hbm>>) dst(%arg21 : memref<2000xf32, #tpu.memory_space<vmem>>)
        %gt3A_213 = arith.constant 0 : i32
        %gt3A_214 = arith.cmpi sgt, %scan3A_79, %gt3A_213 : i32
        %convert_element_type3A_215 = arith.extui %gt3A_214 : i1 to i32
        %cond3A_216 = arith.constant 0 : i32
        %cond3A_217 = arith.cmpi ne, %convert_element_type3A_215, %cond3A_216 : i32
        scf.if %cond3A_217 {
          %add3A_234 = arith.constant 3200000 : i32
          %add3A_235 = arith.addi %add3A_234, %mul3A_0 : i32
          %sub3A = arith.constant 5 : i32
          %sub3A_236 = arith.subi %add3A_205, %sub3A : i32
          %mul3A_237 = arith.constant 2000 : i32
          %mul3A_238 = arith.muli %sub3A_236, %mul3A_237 : i32
          %add3A_239 = arith.addi %add3A_235, %mul3A_238 : i32
          %dma_wait3A_240 = tpu.memref_slice %arg6[%add3A_239] : memref<6400000xf32, #tpu.memory_space<hbm>> -> memref<2000xf32, #tpu.memory_space<hbm>>
          %dma_wait3A_241 = tpu.memref_slice %arg6[%add3A_239] : memref<6400000xf32, #tpu.memory_space<hbm>> -> memref<2000xf32, #tpu.memory_space<hbm>>
          tpu.wait_dma2 semaphore(%arg33 : memref<!tpu.dma_semaphore, #tpu.memory_space<semaphore_mem>>) src(%arg22 : memref<2000xf32, #tpu.memory_space<vmem>>) dst(%dma_wait3A_241 : memref<2000xf32, #tpu.memory_space<hbm>>)
        } else {
        }
        %parallel_loop3A_218 = arith.constant 0 : i32
        %parallel_loop3A_219 = arith.constant 2000 : i32
        %parallel_loop3A_220 = arith.constant 16 : i32
        scf.for %parallel_loop3A_234 = %parallel_loop3A_218 to %parallel_loop3A_219 step %parallel_loop3A_220  : i32 {
          %parallel_loop3A_235 = arith.index_cast %parallel_loop3A_234 : i32 to index
          %parallel_loop3A_236 = tpu.vector_load %arg21[%parallel_loop3A_235] {strides = array<i32>} : memref<2000xf32, #tpu.memory_space<vmem>>, vector<16xf32>,
          %parallel_loop3A_237 = arith.index_cast %parallel_loop3A_234 : i32 to index
          %parallel_loop3A_238 = tpu.vector_load %arg20[%parallel_loop3A_237] {strides = array<i32>} : memref<2000xi32, #tpu.memory_space<vmem>>, vector<16xi32>,
          %parallel_loop3A_239 = tpu.vector_load_idx %arg7[%parallel_loop3A_238] : memref<100000xf32, #tpu.memory_space<vmem>>[vector<16xi32>], vector<16xf32>,
          %parallel_loop3A_240 = arith.addf %parallel_loop3A_236, %parallel_loop3A_239 : vector<16xf32>
          %parallel_loop3A_241 = arith.index_cast %parallel_loop3A_234 : i32 to index
          %parallel_loop3A_242 = tpu.vector_load %arg22[%parallel_loop3A_241] {strides = array<i32>} : memref<2000xf32, #tpu.memory_space<vmem>>, vector<16xf32>,
          tpu.vector_store %arg22[%parallel_loop3A_241], %parallel_loop3A_240 {strides = array<i32>} : memref<2000xf32, #tpu.memory_space<vmem>>, vector<16xf32>,
        } {sc.loop_unroll_factor = 8 : i64, sc.parallel_access}
        %add3A_221 = arith.constant 3200000 : i32
        %add3A_222 = arith.addi %add3A_221, %mul3A_0 : i32
        %mul3A_223 = arith.constant 2000 : i32
        %mul3A_224 = arith.muli %add3A_205, %mul3A_223 : i32
        %add3A_225 = arith.addi %add3A_222, %mul3A_224 : i32
        %dma_start3A_226 = tpu.memref_slice %arg6[%add3A_225] : memref<6400000xf32, #tpu.memory_space<hbm>> -> memref<2000xf32, #tpu.memory_space<hbm>>
        %dma_start3A_227 = tpu.memref_slice %arg6[%add3A_225] : memref<6400000xf32, #tpu.memory_space<hbm>> -> memref<2000xf32, #tpu.memory_space<hbm>>
        tpu.enqueue_dma source(%arg22 : memref<2000xf32, #tpu.memory_space<vmem>>) target(%dma_start3A_227 : memref<2000xf32, #tpu.memory_space<hbm>>) target_semaphore(%arg33 : memref<!tpu.dma_semaphore, #tpu.memory_space<semaphore_mem>>)
        %lt3A_228 = arith.constant 19 : i32
        %lt3A_229 = arith.cmpi slt, %scan3A_79, %lt3A_228 : i32
        %convert_element_type3A_230 = arith.extui %lt3A_229 : i1 to i32
        %cond3A_231 = arith.constant 0 : i32
        %cond3A_232 = arith.cmpi ne, %convert_element_type3A_230, %cond3A_231 : i32
        scf.if %cond3A_232 {
          %add3A_234 = arith.constant 5 : i32
          %add3A_235 = arith.addi %add3A_205, %add3A_234 : i32
          %mul3A_236 = arith.constant 2000 : i32
          %mul3A_237 = arith.muli %add3A_235, %mul3A_236 : i32
          %add3A_238 = arith.addi %mul3A_0, %mul3A_237 : i32
          %dma_start3A_239 = tpu.memref_slice %arg5[%add3A_238] : memref<3200000xi32, #tpu.memory_space<hbm>> -> memref<2000xi32, #tpu.memory_space<hbm>>
          %dma_start3A_240 = tpu.memref_slice %arg5[%add3A_238] : memref<3200000xi32, #tpu.memory_space<hbm>> -> memref<2000xi32, #tpu.memory_space<hbm>>
          tpu.enqueue_dma source(%dma_start3A_240 : memref<2000xi32, #tpu.memory_space<hbm>>) target(%arg20 : memref<2000xi32, #tpu.memory_space<vmem>>) target_semaphore(%arg32 : memref<!tpu.dma_semaphore, #tpu.memory_space<semaphore_mem>>)
          %dma_start3A_241 = tpu.memref_slice %arg4[%add3A_238] : memref<3200000xf32, #tpu.memory_space<hbm>> -> memref<2000xf32, #tpu.memory_space<hbm>>
          %dma_start3A_242 = tpu.memref_slice %arg4[%add3A_238] : memref<3200000xf32, #tpu.memory_space<hbm>> -> memref<2000xf32, #tpu.memory_space<hbm>>
          tpu.enqueue_dma source(%dma_start3A_242 : memref<2000xf32, #tpu.memory_space<hbm>>) target(%arg21 : memref<2000xf32, #tpu.memory_space<vmem>>) target_semaphore(%arg32 : memref<!tpu.dma_semaphore, #tpu.memory_space<semaphore_mem>>)
        } else {
        }
        %scan3A_233 = arith.constant 0 : i32
        scf.yield %scan3A_233 : i32
      }
      %scan3A_48 = arith.constant 20 : i32
      %add3A_49 = arith.constant 3200000 : i32
      %add3A_50 = arith.addi %add3A_49, %mul3A_0 : i32
      %add3A_51 = arith.constant 190000 : i32
      %add3A_52 = arith.addi %add3A_50, %add3A_51 : i32
      %dma_wait3A_53 = tpu.memref_slice %arg6[%add3A_52] : memref<6400000xf32, #tpu.memory_space<hbm>> -> memref<2000xf32, #tpu.memory_space<hbm>>
      %dma_wait3A_54 = tpu.memref_slice %arg6[%add3A_52] : memref<6400000xf32, #tpu.memory_space<hbm>> -> memref<2000xf32, #tpu.memory_space<hbm>>
      tpu.wait_dma2 semaphore(%arg25 : memref<!tpu.dma_semaphore, #tpu.memory_space<semaphore_mem>>) src(%arg10 : memref<2000xf32, #tpu.memory_space<vmem>>) dst(%dma_wait3A_54 : memref<2000xf32, #tpu.memory_space<hbm>>)
      %add3A_55 = arith.constant 3200000 : i32
      %add3A_56 = arith.addi %add3A_55, %mul3A_0 : i32
      %add3A_57 = arith.constant 192000 : i32
      %add3A_58 = arith.addi %add3A_56, %add3A_57 : i32
      %dma_wait3A_59 = tpu.memref_slice %arg6[%add3A_58] : memref<6400000xf32, #tpu.memory_space<hbm>> -> memref<2000xf32, #tpu.memory_space<hbm>>
      %dma_wait3A_60 = tpu.memref_slice %arg6[%add3A_58] : memref<6400000xf32, #tpu.memory_space<hbm>> -> memref<2000xf32, #tpu.memory_space<hbm>>
      tpu.wait_dma2 semaphore(%arg27 : memref<!tpu.dma_semaphore, #tpu.memory_space<semaphore_mem>>) src(%arg13 : memref<2000xf32, #tpu.memory_space<vmem>>) dst(%dma_wait3A_60 : memref<2000xf32, #tpu.memory_space<hbm>>)
      %add3A_61 = arith.constant 3200000 : i32
      %add3A_62 = arith.addi %add3A_61, %mul3A_0 : i32
      %add3A_63 = arith.constant 194000 : i32
      %add3A_64 = arith.addi %add3A_62, %add3A_63 : i32
      %dma_wait3A_65 = tpu.memref_slice %arg6[%add3A_64] : memref<6400000xf32, #tpu.memory_space<hbm>> -> memref<2000xf32, #tpu.memory_space<hbm>>
      %dma_wait3A_66 = tpu.memref_slice %arg6[%add3A_64] : memref<6400000xf32, #tpu.memory_space<hbm>> -> memref<2000xf32, #tpu.memory_space<hbm>>
      tpu.wait_dma2 semaphore(%arg29 : memref<!tpu.dma_semaphore, #tpu.memory_space<semaphore_mem>>) src(%arg16 : memref<2000xf32, #tpu.memory_space<vmem>>) dst(%dma_wait3A_66 : memref<2000xf32, #tpu.memory_space<hbm>>)
      %add3A_67 = arith.constant 3200000 : i32
      %add3A_68 = arith.addi %add3A_67, %mul3A_0 : i32
      %add3A_69 = arith.constant 196000 : i32
      %add3A_70 = arith.addi %add3A_68, %add3A_69 : i32
      %dma_wait3A_71 = tpu.memref_slice %arg6[%add3A_70] : memref<6400000xf32, #tpu.memory_space<hbm>> -> memref<2000xf32, #tpu.memory_space<hbm>>
      %dma_wait3A_72 = tpu.memref_slice %arg6[%add3A_70] : memref<6400000xf32, #tpu.memory_space<hbm>> -> memref<2000xf32, #tpu.memory_space<hbm>>
      tpu.wait_dma2 semaphore(%arg31 : memref<!tpu.dma_semaphore, #tpu.memory_space<semaphore_mem>>) src(%arg19 : memref<2000xf32, #tpu.memory_space<vmem>>) dst(%dma_wait3A_72 : memref<2000xf32, #tpu.memory_space<hbm>>)
      %add3A_73 = arith.constant 3200000 : i32
      %add3A_74 = arith.addi %add3A_73, %mul3A_0 : i32
      %add3A_75 = arith.constant 198000 : i32
      %add3A_76 = arith.addi %add3A_74, %add3A_75 : i32
      %dma_wait3A_77 = tpu.memref_slice %arg6[%add3A_76] : memref<6400000xf32, #tpu.memory_space<hbm>> -> memref<2000xf32, #tpu.memory_space<hbm>>
      %dma_wait3A_78 = tpu.memref_slice %arg6[%add3A_76] : memref<6400000xf32, #tpu.memory_space<hbm>> -> memref<2000xf32, #tpu.memory_space<hbm>>
      tpu.wait_dma2 semaphore(%arg33 : memref<!tpu.dma_semaphore, #tpu.memory_space<semaphore_mem>>) src(%arg22 : memref<2000xf32, #tpu.memory_space<vmem>>) dst(%dma_wait3A_78 : memref<2000xf32, #tpu.memory_space<hbm>>)
    } else {
    }
    return
  }
}

</mosaic_0001>

<sc_bundles>
// kernel: kernel.3.cloned.1.call-start
scs
__scs_entry_jumppad:
0x0: {  	(pc) =	sbr.rel $0x88, $3  }
0x1: {  	(tag) =	ssettag $0x0;
	lr =	simm.s32 $0x1  }
0x2: {  	[smem:$0x3F9D] =	sst lr;
	_ =	strace $0xD0000000  }
0x3: {  	_ = 	snop  }
0x4: {  	_ = 	snop  }
0x5: {  	_ = 	snop  }
0x6: {  	_ = 	snop  }
0x7: {  	_ = 	snop  }
__scs_overlays_trampoline_lowered:
0x8: {  	[smem:$0x3FAC] =	sst s0  }
0x9: {  	[smem:$0x3FAD] =	sst s1  }
0xa: {  	[smem:$0x3FAE] =	sst s2  }
0xb: {  	[smem:$0x3FAF] =	sst s3  }
0xc: {  	[smem:$0x3FB0] =	sst s4  }
0xd: {  	[smem:$0x3FB1] =	sst s5  }
0xe: {  	[smem:$0x3FB2] =	sst s6  }
0xf: {  	[smem:$0x3FB3] =	sst s7  }
0x10: {  	[smem:$0x3FB4] =	sst s8  }
0x11: {  	[smem:$0x3FB5] =	sst s9;
	s0 =	simm.s32 @!p0 $0x0  }
0x12: {  	s1 =	sld [smem:$0x3F9B];
	s0 =	simm.s32 @p0 $0x1  }
0x13: {  	[smem:$0x3FB6] =	sst s0;
	s0 =	simm.s32 @!p1 $0x0  }
0x14: {  	s2 =	sld [smem:$0x3F9A];
	s0 =	simm.s32 @p1 $0x1  }
0x15: {  	[smem:$0x3FB7] =	sst s0;
	s0 =	simm.s32 @!p2 $0x0  }
0x16: {  	s3 =	sld [smem:$0x3FDB];
	s0 =	simm.s32 @p2 $0x1  }
0x17: {  	s4 =	simm.s32 $0x1BF5;
	[smem:$0x3FB9] =	sst s0  }
0x18: {  	s0 =	sld [smem:$0x3F9C];
	_ =	swait.ge [sflag:s4], $0x0  }
0x19: {  	s7 =	sld [smem:$0x3F9D]  }
0x1a: {  	s8 =	sadd.s32 $0xFFFFE003, lr  }
0x1b: {  	s9 =	sadd.s32 $0xFFFFFEF7, lr;
	s5 =	simm.s32 $0xFFFFFFFF;
	p2 =	slt.u32 s8, $0xFFFFF086  }
0x1c: {  	p1 =	slt.u32 s9, $0xF7A;
	s5 =	simm.s32 @!p2 $0x0  }
0x1d: {  	s5 =	simm.s32 @p1 $0x1;
	p0 =	seq.s32 s7, s2  }
0x1e: {  	s7 =	smul.u32 @!p0 $0xF7A, s2;
	p2 =	seq.s32 @!p0 s5, $0x0  }
0x1f: {  	s9 =	smul.u32 $0xF7A, s1;
	s8 =	simm.s32 @!p0 $0x1BF5;
	p2 =	por !p2, p0  }
0x20: {  	[sflag:s8] =	ssyncset.s32 @!p0 $0xFFFFF086;
	s6 =	sadd.s32 @!p0 s3, s7;
	s7 =	simm.s32 @!p0 $0x108  }
0x21: {  	s3 =	sadd.s32 s3, s9;
	s6 =	sadd.s32 @!p0 $0x88, s6;
	s7 =	simm.s32 @p2 $0x1082  }
0x22: {  	[simem:s7], [sflag:s8] =	dma.local @!p0 [hbm:s6], $0xF7A  }
0x23: {  	s9 =	sor.u32 $0xD0000000, s2;
	s6 =	simm.s32 $0x108;
	_ =	swait.ge @!p0 [sflag:s8], $0x0  }
0x24: {  	s3 =	sadd.s32 $0x88, s3;
	s6 =	simm.s32 @!p1 $0x1082;
	[sflag:s4] =	ssyncset.s32 $0xFFFFF086  }
0x25: {  	[simem:s6], [sflag:s4] =	dma.local [hbm:s3], $0xF7A  }
0x26: {  	[smem:$0x3F9D] =	sst s1;
	(tag) =	ssettag s2;
	_ =	strace s9  }
0x27: {  	s1 =	sld [smem:$0x3FAD]  }
0x28: {  	s2 =	sld [smem:$0x3FAE]  }
0x29: {  	s4 =	sld [smem:$0x3FB0]  }
0x2a: {  	p0 =	seq.s32 s5, $0x0;
	s5 =	sld [smem:$0x3FB1]  }
0x2b: {  	s6 =	sld [smem:$0x3FB2]  }
0x2c: {  	s7 =	sld [smem:$0x3FB3]  }
0x2d: {  	s3 =	simm.s32 $0x108;
	s8 =	sld [smem:$0x3FB4]  }
0x2e: {  	s3 =	simm.s32 @!p0 $0x1082;
	s9 =	sld [smem:$0x3FB5]  }
0x2f: {  	lr =	sadd.s32 s0, s3;
	s0 =	sld [smem:$0x3FAC]  }
0x30: {  	s3 =	sld [smem:$0x3FAF]  }
0x31: {  	[smem:$0x3FB8] =	sst s10  }
0x32: {  	s10 =	sld [smem:$0x3FB6];
	_ =	sdelay $0x3  }
0x33: {  	p0 =	seq.s32 s10, $0x1;
	s10 =	sld [smem:$0x3FB8];
	_ =	sdelay $0x3  }
0x34: {  	[smem:$0x3FB8] =	sst s10  }
0x35: {  	s10 =	sld [smem:$0x3FB7];
	_ =	sdelay $0x3  }
0x36: {  	p1 =	seq.s32 s10, $0x1;
	s10 =	sld [smem:$0x3FB8];
	_ =	sdelay $0x3  }
0x37: {  	[smem:$0x3FB8] =	sst s10  }
0x38: {  	s10 =	sld [smem:$0x3FB9]  }
0x39: {  	_ = 	snop;
	(pc) =	sbr.ind lr, $3  }
0x3a: {  	_ = 	snop  }
0x3b: {  	_ = 	snop  }
0x3c: {  	p2 =	seq.s32 s10, $0x1;
	s10 =	sld [smem:$0x3FB8]  }
0x3d: {  	_ =	shalt  }
0x3e: {  	_ =	shalt  }
0x3f: {  	_ =	shalt  }
0x40: {  	_ =	shalt  }
0x41: {  	_ =	shalt  }
0x42: {  	_ =	shalt  }
0x43: {  	_ =	shalt  }
0x44: {  	_ =	shalt  }
0x45: {  	_ =	shalt  }
0x46: {  	_ =	shalt  }
0x47: {  	_ =	shalt  }
0x48: {  	_ =	shalt  }
0x49: {  	_ =	shalt  }
0x4a: {  	_ =	shalt  }
0x4b: {  	_ =	shalt  }
0x4c: {  	_ =	shalt  }
0x4d: {  	_ =	shalt  }
0x4e: {  	_ =	shalt  }
0x4f: {  	_ =	shalt  }
0x50: {  	_ =	shalt  }
0x51: {  	_ =	shalt  }
0x52: {  	_ =	shalt  }
0x53: {  	_ =	shalt  }
0x54: {  	_ =	shalt  }
0x55: {  	_ =	shalt  }
0x56: {  	_ =	shalt  }
0x57: {  	_ =	shalt  }
0x58: {  	_ =	shalt  }
0x59: {  	_ =	shalt  }
0x5a: {  	_ =	shalt  }
0x5b: {  	_ =	shalt  }
0x5c: {  	_ =	shalt  }
0x5d: {  	_ =	shalt  }
0x5e: {  	_ =	shalt  }
0x5f: {  	_ =	shalt  }
0x60: {  	_ =	shalt  }
0x61: {  	_ =	shalt  }
0x62: {  	_ =	shalt  }
0x63: {  	_ =	shalt  }
0x64: {  	_ =	shalt  }
0x65: {  	_ =	shalt  }
0x66: {  	_ =	shalt  }
0x67: {  	_ =	shalt  }
0x68: {  	_ =	shalt  }
0x69: {  	_ =	shalt  }
0x6a: {  	_ =	shalt  }
0x6b: {  	_ =	shalt  }
0x6c: {  	_ =	shalt  }
0x6d: {  	_ =	shalt  }
0x6e: {  	_ =	shalt  }
0x6f: {  	_ =	shalt  }
0x70: {  	_ =	shalt  }
0x71: {  	_ =	shalt  }
0x72: {  	_ =	shalt  }
0x73: {  	_ =	shalt  }
0x74: {  	_ =	shalt  }
0x75: {  	_ =	shalt  }
0x76: {  	_ =	shalt  }
0x77: {  	_ =	shalt  }
0x78: {  	_ =	shalt  }
0x79: {  	_ =	shalt  }
0x7a: {  	_ =	shalt  }
0x7b: {  	_ =	shalt  }
0x7c: {  	_ =	shalt  }
0x7d: {  	_ =	shalt  }
0x7e: {  	_ =	shalt  }
0x7f: {  	_ =	shalt  }
0x80: {  	_ =	shalt  }
0x81: {  	_ =	shalt  }
0x82: {  	_ =	shalt  }
0x83: {  	_ =	shalt  }
0x84: {  	_ =	shalt  }
0x85: {  	_ =	shalt  }
0x86: {  	_ =	shalt  }
0x87: {  	_ =	shalt  }
.Lfunc_end0:
.L_simem_size_0:
called_computation_lowered:
.L_overlay_start_0:
0x88: {  	s2 =	sld [smem:$0x3FD9]  }
0x89: {  	s3 =	sld [smem:$0x3FFE];
	_ =	sdelay $0x1  }
0x8a: {  	s1 =	srdreg.scid  }
0x8b: {  	s0 =	sand.u32 $0x1, s1  }
0x8c: {  	s18 =	sshll.u32 s0, $0xA;
	s2 =	sadd.s32 s3, s2  }
0x8d: {  	s2 =	sadd.s32 s2, s18  }
0x8e: {  	[smem:$0x3FC4] =	sst s2  }
0x8f: {  	_ = 	snop  }
0x90: {  	s2 =	sld [smem:$0x3FC9]  }
0x91: {  	s19 =	sld [smem:$0x3FC8]  }
0x92: {  	s4 =	sld [smem:$0x3FC7]  }
0x93: {  	s5 =	sld [smem:$0x3FC6]  }
0x94: {  	s6 =	sld [smem:$0x3FD0];
	(tm) =	ssettm $0x1  }
0x95: {  	s7 =	sld [smem:$0x3FFB];
	_ =	sdelay $0x3  }
0x96: {  	_ =	strace s7  }
0x97: {  	s7 =	sld [smem:$0x3FFC];
	_ =	sdelay $0x3  }
0x98: {  	_ =	strace s7  }
0x99: {  	s7 =	sld [smem:$0x3FFD];
	_ =	sdelay $0x3  }
0x9a: {  	_ =	strace s7  }
0x9b: {  	_ =	strace $0x8FFFFFFF  }
0x9c: {  	s20 =	sld [smem:$0x3FDB];
	_ =	sdelay $0x1  }
0x9d: {  	s8 =	simm.s32 $_scs_section_size  }
0x9e: {  	s9 =	simm.s32 $_size__tile_overlayer_lowered;
	s10 =	simm.s32 $_tile_overlayer_lowered  }
0x9f: {  	s23 =	simm.s32 $0x1BFF;
	s22 =	sshll.u32 s10, $0x1;
	s7 =	sadd.s32 s8, s20  }
0xa0: {  	s11 =	simm.s32 $0x0;
	s21 =	sshll.u32 s9, $0x1;
	s9 =	sadd.s32 s22, s7  }
0xa1: {  	[timem:s11], [sflag:s23] =	dma.local [hbm:s9], s21  }
0xa2: {  	_ =	swait.ge [sflag:s23], s21  }
0xa3: {  	s8 =	ssub.s32 $0x0, s21;
	[sflag:s23] =	ssyncset.done $0x0  }
0xa4: {  	[sflag:s23] =	ssyncadd.s32 s8;
	_ =	sdelay $0x1  }
0xa5: {  	s24 =	simm.s32 $0x1B8B  }
0xa6: {  	_ =	swait.ge [sflag:s24], $0x1  }
0xa7: {  	[sflag:s24] =	ssyncset.done $0x0  }
0xa8: {  	s25 =	simm.s32 $0x1B8E;
	[sflag:s24] =	ssyncadd.s32 $0xFFFFFFFF  }
0xa9: {  	s26 =	simm.s32 $execute0_lowered;
	[smem:$0x3FD2] =	sst s25  }
0xaa: {  	s8 =	sshll.u32 s26, $0x1;
	_ =	strace $0x80000046;
	[dreg:$0x1] =	wrdreg $0xFFFFFFFF  }
0xab: {  	s28 =	simm.s32 $_size_execute0_lowered;
	s7 =	sadd.s32 s7, s8;
	[dreg:$0x0] =	wrdreg $0x0  }
0xac: {  	s8 =	sshll.u32 s28, $0x1;
	[dreg:$0x2] =	wrdreg s7  }
0xad: {  	[dreg:$0x3] =	wrdreg s8  }
0xae: {  	[dreg:$0x4] =	wrdreg $0xC0  }
0xaf: {  	_ =	task [dreg:s11], $0x5FFFF  }
0xb0: {  	[dreg:$0x1] =	wrdreg $0xFFFFFFFF  }
0xb1: {  	[dreg:$0x0] =	wrdreg $0x60  }
0xb2: {  	[dreg:$0x2] =	wrdreg s2  }
0xb3: {  	[dreg:$0x3] =	wrdreg s19  }
0xb4: {  	[dreg:$0x4] =	wrdreg s4  }
0xb5: {  	[dreg:$0x5] =	wrdreg s5  }
0xb6: {  	[dreg:$0x6] =	wrdreg s6  }
0xb7: {  	[dreg:$0x7] =	wrdreg $0x9  }
0xb8: {  	_ =	task.clear_ibuf [dreg:s11], $0x8FFFF;
	_ =	strace $0x90000046  }
0xb9: {  	s29 =	simm.s32 $0x9;
	_ =	strace $0x80000048  }
0xba: {  	_ =	swait.ge [sflag:s29], $0x1  }
0xbb: {  	[sflag:s29] =	ssyncadd.s32 $0xFFFFFFFF  }
0xbc: {  	_ =	strace $0x90000048  }
0xbd: {  	_ =	sfence  }
0xbe: {  	s30 =	sld [smem:$0x0];
	_ =	sdelay $0x2  }
0xbf: {  	s31 =	sshll.u32 s1, $0xD;
	s1 =	sshrl.u32 s1, $0x2  }
0xc0: {  	s3 =	sand.u32 $0x4000, s31;
	s1 =	sadd.s32 s1, s30  }
0xc1: {  	s0 =	sor.u32 s3, s0;
	s1 =	sshll.u32 s1, $0x11  }
0xc2: {  	s0 =	sor.u32 s1, s0  }
0xc3: {  	s0 =	sadd.s32 $0x8F2B, s0  }
0xc4: {  	[sflag:s0] =	ssyncadd.remote.s32 $0x1  }
0xc5: {  	_ =	sfence.sel $0xFFFF  }
0xc6: {  	[dreg:$0x0] =	wrdreg $0xFFFFFFFF;
	(pc) =	sbr.abs _section_cstart, $3  }
0xc7: {  	[dreg:$0x1] =	wrdreg $0xFFFFFFFF  }
0xc8: {  	_ =	task.clear_ibuf [dreg:s11], $0x2FFFF;
	_ =	strace $0x9FFFFFFF  }
0xc9: {  	(tm) =	ssettm $0x7FFFFFFF  }
tec
execute0_lowered:
.L_overlay_start_1:
0x0: {  	(tag) =	ssettag $0x1  }
0x1: {  	s10 =	rddreg [dreg:$0x0]  }
0x2: {  	s2 =	rddreg [dreg:$0x1]  }
0x3: {  	s3 =	rddreg [dreg:$0x2];
	s4 =	stileid.u32  }
0x4: {  	s5 =	rddreg [dreg:$0x3];
	s12 =	smul.u32 $0x30D40, s4  }
0x5: {  	s6 =	rddreg [dreg:$0x4];
	s7 =	simm.s32 $0x0  }
0x6: {  	[smem:$0x7FF] =	sst s7;
	s22 =	sadd.s32 $0x7D0, s12  }
0x7: {  	_ =	strace $0x80000047;
	s23 =	sadd.s32 $0xFA0, s12;
	[dreg:$0x7] =	wrdreg s22  }
0x8: {  	s0 =	srdreg.scid;
	s24 =	sadd.s32 $0x1770, s12;
	[dreg:$0x9] =	wrdreg s23  }
0x9: {  	s20 =	sshrl.u32 s12, $0x3;
	s15 =	sadd.s32 $0x1F40, s12;
	[dreg:$0xb] =	wrdreg s24  }
0xa: {  	s0 =	sand.u32 $0x1, s0;
	s21 =	sadd.s32 s5, s20;
	[dreg:$0x11] =	wrdreg s15  }
0xb: {  	s1 =	ssub.s32 $0x2, s0;
	s8 =	sadd.s32 s2, s20;
	[dreg:$0x6] =	wrdreg s21  }
0xc: {  	p0 =	seq.s32 s0, $0x1;
	s4 =	sadd.s32 s3, s20;
	[dreg:$0x8] =	wrdreg s8  }
0xd: {  	s0 =	sshrl.u32 s22, $0x3;
	s22 =	sadd.s32 $0x30D400, s12;
	[dreg:$0x12] =	wrdreg s4  }
0xe: {  	s19 =	sshrl.u32 s1, $0x1;
	s9 =	sadd.s32 s5, s0;
	[dreg:$0x19] =	wrdreg s22  }
0xf: {  	s28 =	sadd.s32 $0x2710, s12;
	s11 =	sadd.s32 s2, s0;
	[dreg:$0xa] =	wrdreg s9  }
0x10: {  	s18 =	sshrl.u32 s15, $0x3;
	s0 =	sadd.s32 s3, s0;
	[dreg:$0xc] =	wrdreg s11  }
0x11: {  	s1 =	ssub.s32 s1, s19;
	s19 =	sadd.s32 s5, s18;
	[dreg:$0x13] =	wrdreg s0  }
0x12: {  	s29 =	sadd.s32 $0x2EE0, s12;
	s20 =	sadd.s32 s2, s18;
	[dreg:$0x16] =	wrdreg s19  }
0x13: {  	s30 =	sadd.s32 $0x36B0, s12;
	s21 =	sadd.s32 $0x30D4, s10;
	[dreg:$0x17] =	wrdreg s20  }
0x14: {  	s31 =	sadd.s32 $0x3E80, s12;
	s4 =	sadd.s32 s3, s18;
	[dreg:$0x18] =	wrdreg s21  }
0x15: {  	s8 =	sshrl.u32 s23, $0x3;
	s23 =	sadd.s32 $0x30DBD0, s12;
	[dreg:$0x1a] =	wrdreg s4  }
0x16: {  	s1 =	smax.u32 s1, $0x1;
	s18 =	simm.s32 $0x1C700;
	[dreg:$0x1b] =	wrdreg s23  }
0x17: {  	s10 =	simm.s32 $0x1F700;
	s25 =	sadd.s32 s5, s8;
	[dreg:$0x1d] =	wrdreg s1  }
0x18: {  	s9 =	sshrl.u32 s24, $0x3;
	s26 =	sadd.s32 s2, s8;
	[dreg:$0xd] =	wrdreg s25  }
0x19: {  	s16 =	sadd.s32 s3, s8;
	s0 =	sadd.s32 $0x4650, s12;
	[dreg:$0xe] =	wrdreg s26  }
0x1a: {  	s24 =	sadd.s32 $0x30E3A0, s12;
	s11 =	smov.u32 s12;
	[dreg:$0x14] =	wrdreg s16  }
0x1b: {  	s4 =	simm.s32 $0x2;
	s13 =	sadd.s32 s5, s9;
	[dreg:$0x1c] =	wrdreg s24  }
0x1c: {  	s19 =	simm.s32 $0x1DF00;
	s14 =	sadd.s32 s2, s9;
	[dreg:$0xf] =	wrdreg s13  }
.Ltmp0:
0x1d: {  	s17 =	sadd.s32 s3, s9;
	[dreg:$0x10] =	wrdreg s14;
	(pc) =	sbr.rel .LBB2_1-.Ltmp0, $4  }
0x1e: {  	s25 =	sadd.s32 $0x30EB70, s12;
	s26 =	sadd.s32 $0x30F340, s12;
	[dreg:$0x15] =	wrdreg s17  }
0x1f: {  	s24 =	simm.s32 $0x1E700;
	s9 =	simm.s32 $0x4;
	[dreg:$0x1e] =	wrdreg s25  }
0x20: {  	s16 =	simm.s32 $0x6;
	s12 =	simm.s32 $0x0;
	[dreg:$0x1f] =	wrdreg s26  }
0x21: {  	s13 =	simm.s32 $0x1AF00;
	s25 =	simm.s32 $0x8;
	s26 =	simm.s32 $0xA  }
.LBB2_48:
0x22: {  	s1 =	simm.s32 $0x3  }
0x23: {  	_ =	swait.ge [sflag:s1], $0x7D0  }
0x24: {  	[sflag:s1] =	ssyncset.done $0x0  }
0x25: {  	s20 =	simm.s32 $0x5;
	[sflag:s1] =	ssyncadd.s32 $0xFFFFF830  }
0x26: {  	_ =	swait.ge [sflag:s20], $0x7D0  }
0x27: {  	[sflag:s20] =	ssyncset.done $0x0  }
0x28: {  	s21 =	simm.s32 $0x7;
	[sflag:s20] =	ssyncadd.s32 $0xFFFFF830  }
0x29: {  	_ =	swait.ge [sflag:s21], $0x7D0  }
0x2a: {  	[sflag:s21] =	ssyncset.done $0x0  }
0x2b: {  	s22 =	simm.s32 $0x9;
	[sflag:s21] =	ssyncadd.s32 $0xFFFFF830  }
0x2c: {  	_ =	swait.ge [sflag:s22], $0x7D0  }
0x2d: {  	[sflag:s22] =	ssyncset.done $0x0  }
0x2e: {  	s8 =	simm.s32 $0xB;
	[sflag:s22] =	ssyncadd.s32 $0xFFFFF830  }
0x2f: {  	_ =	swait.ge [sflag:s8], $0x7D0  }
0x30: {  	s12 =	sld [smem:$0x7FD];
	_ =	sdelay $0x2  }
0x31: {  	s23 =	rddreg [dreg:$0x1d];
	s12 =	sadd.s32 $0x1, s12  }
0x32: {  	p1 =	sne.s32 s12, s23  }
.Ltmp1:
0x33: {  	_ = 	snop;
	(pc) =	sbr.rel @!p1 .LBB2_49-.Ltmp1, $3  }
0x34: {  	_ =	sdelay $0x1  }
0x35: {  	[sflag:s8] =	ssyncset.done $0x0  }
0x36: {  	[sflag:s8] =	ssyncadd.s32 $0xFFFFF830  }
.LBB2_1:
.Ltmp2:
0x37: {  	(pc) =	sbr.rel @!p0 .LBB2_2-.Ltmp2, $2  }
0x38: {  	_ =	sdelay $0x2  }
0x39: {  	[smem:$0x7FD] =	sst s12;
	s12 =	simm.s32 $0x0  }
0x3a: {  	s1 =	rddreg [dreg:$0x18]  }
0x3b: {  	[tilespmem:s12], [sflag:$0x1] =	stream.linear.gather [hbm4b:s1+s12], $0x186A0, $0x38;
	[tilespmem:$0x1FF00] =	vst v63  }
0x3c: {  	s21 =	rddreg [dreg:$0x6];
	s8 =	simm.s32 $0x18700  }
0x3d: {  	[tilespmem:s8], [sflag:$0x2] =	stream.linear.gather [hbm4b:s21+s12], $0x7D0, $0x38;
	[tilespmem:$0x1FF00] =	vst v63  }
0x3e: {  	s22 =	rddreg [dreg:$0x12];
	s23 =	simm.s32 $0x18F00  }
0x3f: {  	[tilespmem:s23], [sflag:$0x2] =	stream.linear.gather [hbm4b:s22+s12], $0x7D0, $0x38;
	[tilespmem:$0x1FF00] =	vst v63  }
0x40: {  	s14 =	simm.s32 $0x19F00;
	s8 =	rddreg [dreg:$0xa]  }
0x41: {  	[tilespmem:s14], [sflag:$0x4] =	stream.linear.gather [hbm4b:s8+s12], $0x7D0, $0x38;
	[tilespmem:$0x1FF00] =	vst v63  }
0x42: {  	s15 =	rddreg [dreg:$0x13];
	s17 =	simm.s32 $0x1A700  }
0x43: {  	[tilespmem:s17], [sflag:$0x4] =	stream.linear.gather [hbm4b:s15+s12], $0x7D0, $0x38;
	[tilespmem:$0x1FF00] =	vst v63  }
0x44: {  	s20 =	rddreg [dreg:$0xd];
	s21 =	simm.s32 $0x1B700  }
0x45: {  	[tilespmem:s21], [sflag:$0x6] =	stream.linear.gather [hbm4b:s20+s12], $0x7D0, $0x38;
	[tilespmem:$0x1FF00] =	vst v63  }
0x46: {  	s22 =	rddreg [dreg:$0x14];
	s23 =	simm.s32 $0x1BF00  }
0x47: {  	[tilespmem:s23], [sflag:$0x6] =	stream.linear.gather [hbm4b:s22+s12], $0x7D0, $0x38;
	[tilespmem:$0x1FF00] =	vst v63  }
0x48: {  	s8 =	rddreg [dreg:$0xf];
	s14 =	simm.s32 $0x1CF00  }
0x49: {  	[tilespmem:s14], [sflag:$0x8] =	stream.linear.gather [hbm4b:s8+s12], $0x7D0, $0x38;
	[tilespmem:$0x1FF00] =	vst v63  }
0x4a: {  	s15 =	rddreg [dreg:$0x15];
	s17 =	simm.s32 $0x1D700  }
0x4b: {  	[tilespmem:s17], [sflag:$0x8] =	stream.linear.gather [hbm4b:s15+s12], $0x7D0, $0x38;
	[tilespmem:$0x1FF00] =	vst v63  }
0x4c: {  	s20 =	rddreg [dreg:$0x16]  }
0x4d: {  	[tilespmem:s24], [sflag:$0xA] =	stream.linear.gather [hbm4b:s20+s12], $0x7D0, $0x38;
	[tilespmem:$0x1FF00] =	vst v63  }
0x4e: {  	s21 =	rddreg [dreg:$0x1a];
	s22 =	simm.s32 $0x1EF00;
	s23 =	simm.s32 $0x1  }
0x4f: {  	[tilespmem:s22], [sflag:$0xA] =	stream.linear.gather [hbm4b:s21+s12], $0x7D0, $0x38;
	[tilespmem:$0x1FF00] =	vst v63  }
0x50: {  	_ =	swait.ge [sflag:s23], $0x186A0  }
0x51: {  	[sflag:s23] =	ssyncset.done $0x0  }
0x52: {  	[sflag:s23] =	ssyncadd.s32 $0xFFFE7960  }
.LBB2_26:
0x53: {  	_ =	swait.ge [sflag:s4], $0x7D0  }
0x54: {  	[sflag:s4] =	ssyncset.done $0x0  }
0x55: {  	[sflag:s4] =	ssyncadd.s32 $0xFFFFF830  }
0x56: {  	_ =	swait.ge [sflag:s4], $0x7D0  }
0x57: {  	p1 =	seq.s32 s12, $0x0;
	[sflag:s4] =	ssyncset.done $0x0  }
0x58: {  	s1 =	simm.s32 @!p1 $0x3;
	[sflag:s4] =	ssyncadd.s32 $0xFFFFF830  }
0x59: {  	_ =	swait.ge @!p1 [sflag:s1], $0x7D0  }
0x5a: {  	[sflag:s1] =	ssyncset.done @!p1 $0x0  }
0x5b: {  	s23 =	simm.s32 $0x18740;
	[sflag:s1] =	ssyncadd.s32 @!p1 $0xFFFFF830  }
0x5c: {  	v0 =	vld [tilespmem:s23+$0x30]  }
0x5d: {  	v1 =	vld [tilespmem:s23+$0xFFFFFFC0]  }
0x5e: {  	v2 =	vld [tilespmem:s23+$0xFFFFFFD0]  }
0x5f: {  	v3 =	vld [tilespmem:s23+$0xFFFFFFE0]  }
0x60: {  	v4 =	vld [tilespmem:s23+$0xFFFFFFF0]  }
0x61: {  	v5 =	vld [tilespmem:s23+$0x0]  }
0x62: {  	v6 =	vld [tilespmem:s23+$0x10]  }
0x63: {  	s21 =	simm.s32 $0x18F40;
	v7 =	vld [tilespmem:s23+$0x20]  }
0x64: {  	v10 =	vld [tilespmem:s21+$0x30]  }
0x65: {  	v13 =	vld [tilespmem:s21+$0xFFFFFFD0]  }
0x66: {  	v14 =	vld [tilespmem:s21+$0xFFFFFFE0]  }
0x67: {  	v8 =	vld [tilespmem:s21+$0xFFFFFFF0]  }
0x68: {  	v9 =	vld.idx.msk [tilespmem:v0+s7+$0x0], $0xffff  }
0x69: {  	v0 =	vld.idx.msk [tilespmem:v1+s7+$0x0], $0xffff  }
0x6a: {  	v11 =	vld.idx.msk [tilespmem:v2+s7+$0x0], $0xffff  }
0x6b: {  	v12 =	vld.idx.msk [tilespmem:v3+s7+$0x0], $0xffff  }
0x6c: {  	v4 =	vld.idx.msk [tilespmem:v4+s7+$0x0], $0xffff  }
0x6d: {  	v3 =	vld.idx.msk [tilespmem:v5+s7+$0x0], $0xffff  }
0x6e: {  	v2 =	vld.idx.msk [tilespmem:v6+s7+$0x0], $0xffff  }
0x6f: {  	v1 =	vld.idx.msk [tilespmem:v7+s7+$0x0], $0xffff  }
0x70: {  	v5 =	vld [tilespmem:s21+$0x0]  }
0x71: {  	s14 =	smul.u32 $0x2710, s12;
	s22 =	simm.s32 $0x19740;
	v6 =	vld [tilespmem:s21+$0x10];
	v9 =	vadd.f32 v9, v10  }
0x72: {  	s15 =	simm.s32 $0x770;
	s17 =	simm.s32 $0x19E80;
	s20 =	simm.s32 $0x18E80;
	v7 =	vld [tilespmem:s21+$0x20];
	v11 =	vadd.f32 v11, v13  }
0x73: {  	s8 =	simm.s32 $0x187C0;
	s1 =	simm.s32 $0x19680;
	s23 =	simm.s32 $0x0;
	v10 =	vadd.f32 v12, v14;
	[tilespmem:s22+$0x30] =	vst v9;
	v9 =	vld [tilespmem:s21+$0xFFFFFFC0]  }
.LBB2_27:
0x74: {  	v12 =	vld [tilespmem:s8+$0x30];
	s23 =	sadd.s32 $0x80, s23;
	[tilespmem:s22+$0xFFFFFFD0] =	vst v11;
	v4 =	vadd.f32 v4, v8  }
0x75: {  	v8 =	vld [tilespmem:s8+$0xFFFFFFC0];
	p2 =	slt.u32 s23, $0x700;
	[tilespmem:s22+$0xFFFFFFE0] =	vst v10;
	v3 =	vadd.f32 v3, v5  }
0x76: {  	v5 =	vld [tilespmem:s8+$0xFFFFFFD0];
	[tilespmem:s22+$0xFFFFFFF0] =	vst v4;
	v2 =	vadd.f32 v2, v6  }
0x77: {  	v4 =	vld [tilespmem:s8+$0xFFFFFFE0];
	[tilespmem:s22+$0x0] =	vst v3;
	v1 =	vadd.f32 v1, v7  }
0x78: {  	v3 =	vld [tilespmem:s8+$0xFFFFFFF0];
	v0 =	vadd.f32 v0, v9;
	[tilespmem:s22+$0x10] =	vst v2  }
0x79: {  	v2 =	vld [tilespmem:s8+$0x0];
	[tilespmem:s22+$0x20] =	vst v1  }
0x7a: {  	v1 =	vld [tilespmem:s8+$0x10];
	[tilespmem:s22+$0xFFFFFFC0] =	vst v0  }
0x7b: {  	v6 =	vld [tilespmem:s8+$0x20]  }
0x7c: {  	s21 =	sadd.s32 $0x80, s21;
	v7 =	vld.idx.msk [tilespmem:v12+s7+$0x0], $0xffff  }
0x7d: {  	v9 =	vld [tilespmem:s21+$0x30]  }
0x7e: {  	v0 =	vld.idx.msk [tilespmem:v8+s7+$0x0], $0xffff  }
0x7f: {  	v10 =	vld.idx.msk [tilespmem:v5+s7+$0x0], $0xffff  }
0x80: {  	v12 =	vld.idx.msk [tilespmem:v4+s7+$0x0], $0xffff  }
0x81: {  	v4 =	vld.idx.msk [tilespmem:v3+s7+$0x0], $0xffff  }
0x82: {  	v3 =	vld.idx.msk [tilespmem:v2+s7+$0x0], $0xffff;
	v5 =	vadd.f32 v7, v9  }
0x83: {  	s22 =	sadd.s32 $0x80, s22;
	v2 =	vld.idx.msk [tilespmem:v1+s7+$0x0], $0xffff  }
0x84: {  	v1 =	vld.idx.msk [tilespmem:v6+s7+$0x0], $0xffff;
	[tilespmem:s22+$0x30] =	vst v5  }
0x85: {  	v7 =	vld [tilespmem:s21+$0xFFFFFFD0]  }
0x86: {  	v13 =	vld [tilespmem:s21+$0xFFFFFFE0]  }
.Ltmp3:
0x87: {  	v8 =	vld [tilespmem:s21+$0xFFFFFFF0];
	(pc) =	sbr.rel @p2 .LBB2_27-.Ltmp3, $4  }
0x88: {  	v5 =	vld [tilespmem:s21+$0x0]  }
0x89: {  	v6 =	vld [tilespmem:s21+$0x10]  }
0x8a: {  	v11 =	vadd.f32 v10, v7;
	v7 =	vld [tilespmem:s21+$0x20]  }
0x8b: {  	s8 =	sadd.s32 $0x80, s8;
	v9 =	vld [tilespmem:s21+$0xFFFFFFC0];
	v10 =	vadd.f32 v12, v13  }
0x8c: {  	[tilespmem:s22+$0xFFFFFFD0] =	vst v11;
	v4 =	vadd.f32 v4, v8  }
0x8d: {  	[tilespmem:s22+$0xFFFFFFE0] =	vst v10;
	v3 =	vadd.f32 v3, v5  }
0x8e: {  	[tilespmem:s22+$0xFFFFFFF0] =	vst v4;
	v2 =	vadd.f32 v2, v6  }
0x8f: {  	[tilespmem:s22+$0x0] =	vst v3;
	v1 =	vadd.f32 v1, v7  }
0x90: {  	v0 =	vadd.f32 v0, v9;
	[tilespmem:s22+$0x10] =	vst v2  }
0x91: {  	[tilespmem:s22+$0x20] =	vst v1  }
0x92: {  	[tilespmem:s22+$0xFFFFFFC0] =	vst v0  }
.LBB2_29:
0x93: {  	v0 =	vld [tilespmem:s20+$0x0];
	_ =	sdelay $0x6  }
0x94: {  	v1 =	vld [tilespmem:s1+$0x0]  }
0x95: {  	v0 =	vld.idx.msk [tilespmem:v0+s7+$0x0], $0xffff  }
0x96: {  	s15 =	sadd.s32 $0x10, s15  }
0x97: {  	p2 =	slt.u32 s15, $0x7C0  }
.Ltmp4:
0x98: {  	_ = 	snop;
	(pc) =	sbr.rel @p2 .LBB2_29-.Ltmp4, $3  }
0x99: {  	_ = 	snop  }
0x9a: {  	v0 =	vadd.f32 v0, v1;
	_ =	sdelay $0x1  }
0x9b: {  	s20 =	sadd.s32 $0x10, s20;
	s1 =	sadd.s32 $0x10, s1;
	[tilespmem:s17+$0x0] =	vst v0;
	s17 =	sadd.s32 $0x10, s17  }
0x9c: {  	s1 =	rddreg [dreg:$0x19]  }
0x9d: {  	s1 =	sadd.s32 s1, s14  }
0x9e: {  	s1 =	sshrl.u32 s1, $0x3  }
0x9f: {  	s8 =	simm.s32 $0x19700;
	p2 =	seq.s32 s12, $0x13;
	s1 =	sadd.s32 s6, s1  }
0xa0: {  	[hbm4b:s1+s7] =	stream.linear.scatter [tilespmem:s8], [sflag:$0x3], $0x7D0, $0x38;
	[tilespmem:$0x1FF00] =	vst v63  }
0xa1: {  	s1 =	sadd.s32 @!p2 s14, s28  }
0xa2: {  	s1 =	sshrl.u32 @!p2 s1, $0x3  }
0xa3: {  	s15 =	simm.s32 @!p2 $0x0;
	s17 =	simm.s32 @!p2 $0x18700;
	s8 =	sadd.s32 @!p2 s5, s1  }
0xa4: {  	[tilespmem:s17], [sflag:$0x2] =	stream.linear.gather @!p2 [hbm4b:s8+s15], $0x7D0, $0x38;
	[tilespmem:$0x1FF00] =	vst v63  }
0xa5: {  	s1 =	sadd.s32 @!p2 s3, s1;
	s8 =	simm.s32 @!p2 $0x18F00  }
0xa6: {  	[tilespmem:s8], [sflag:$0x2] =	stream.linear.gather @!p2 [hbm4b:s1+s15], $0x7D0, $0x38;
	[tilespmem:$0x1FF00] =	vst v63  }
0xa7: {  	_ =	swait.ge [sflag:s9], $0x7D0  }
0xa8: {  	[sflag:s9] =	ssyncset.done $0x0  }
0xa9: {  	[sflag:s9] =	ssyncadd.s32 $0xFFFFF830  }
0xaa: {  	_ =	swait.ge [sflag:s9], $0x7D0  }
0xab: {  	[sflag:s9] =	ssyncset.done $0x0  }
0xac: {  	s1 =	simm.s32 @!p1 $0x5;
	[sflag:s9] =	ssyncadd.s32 $0xFFFFF830  }
0xad: {  	_ =	swait.ge @!p1 [sflag:s1], $0x7D0  }
0xae: {  	[sflag:s1] =	ssyncset.done @!p1 $0x0  }
0xaf: {  	s23 =	simm.s32 $0x19F40;
	[sflag:s1] =	ssyncadd.s32 @!p1 $0xFFFFF830  }
0xb0: {  	v0 =	vld [tilespmem:s23+$0x30]  }
0xb1: {  	v1 =	vld [tilespmem:s23+$0xFFFFFFC0]  }
0xb2: {  	v2 =	vld [tilespmem:s23+$0xFFFFFFD0]  }
0xb3: {  	v3 =	vld [tilespmem:s23+$0xFFFFFFE0]  }
0xb4: {  	v4 =	vld [tilespmem:s23+$0xFFFFFFF0]  }
0xb5: {  	v5 =	vld [tilespmem:s23+$0x0]  }
0xb6: {  	v6 =	vld [tilespmem:s23+$0x10]  }
0xb7: {  	s20 =	simm.s32 $0x1A740;
	v7 =	vld [tilespmem:s23+$0x20]  }
0xb8: {  	v10 =	vld [tilespmem:s20+$0x30]  }
0xb9: {  	v13 =	vld [tilespmem:s20+$0xFFFFFFD0]  }
0xba: {  	v14 =	vld [tilespmem:s20+$0xFFFFFFE0]  }
0xbb: {  	v9 =	vld [tilespmem:s20+$0xFFFFFFF0]  }
0xbc: {  	v8 =	vld.idx.msk [tilespmem:v0+s7+$0x0], $0xffff  }
0xbd: {  	v0 =	vld.idx.msk [tilespmem:v1+s7+$0x0], $0xffff  }
0xbe: {  	v11 =	vld.idx.msk [tilespmem:v2+s7+$0x0], $0xffff  }
0xbf: {  	v12 =	vld.idx.msk [tilespmem:v3+s7+$0x0], $0xffff  }
0xc0: {  	v4 =	vld.idx.msk [tilespmem:v4+s7+$0x0], $0xffff  }
0xc1: {  	v3 =	vld.idx.msk [tilespmem:v5+s7+$0x0], $0xffff  }
0xc2: {  	v2 =	vld.idx.msk [tilespmem:v6+s7+$0x0], $0xffff  }
0xc3: {  	v1 =	vld.idx.msk [tilespmem:v7+s7+$0x0], $0xffff  }
0xc4: {  	v7 =	vld [tilespmem:s20+$0x0]  }
0xc5: {  	v5 =	vld [tilespmem:s20+$0x10];
	v8 =	vadd.f32 v8, v10  }
0xc6: {  	s21 =	simm.s32 $0x1AF40;
	s22 =	simm.s32 $0x0;
	s17 =	simm.s32 $0x1A680;
	v6 =	vld [tilespmem:s20+$0x20];
	v11 =	vadd.f32 v11, v13  }
0xc7: {  	s15 =	simm.s32 $0x1B680;
	s1 =	simm.s32 $0x1AE80;
	s23 =	simm.s32 $0x19FC0;
	v10 =	vadd.f32 v12, v14;
	[tilespmem:s21+$0x30] =	vst v8;
	v8 =	vld [tilespmem:s20+$0xFFFFFFC0]  }
.LBB2_31:
0xc8: {  	v12 =	vld [tilespmem:s23+$0x30];
	s22 =	sadd.s32 $0x80, s22;
	[tilespmem:s21+$0xFFFFFFD0] =	vst v11;
	v4 =	vadd.f32 v4, v9  }
0xc9: {  	v9 =	vld [tilespmem:s23+$0xFFFFFFC0];
	p3 =	slt.u32 s22, $0x700;
	[tilespmem:s21+$0xFFFFFFE0] =	vst v10;
	v3 =	vadd.f32 v3, v7  }
0xca: {  	v7 =	vld [tilespmem:s23+$0xFFFFFFD0];
	[tilespmem:s21+$0xFFFFFFF0] =	vst v4;
	v2 =	vadd.f32 v2, v5  }
0xcb: {  	v4 =	vld [tilespmem:s23+$0xFFFFFFE0];
	[tilespmem:s21+$0x0] =	vst v3;
	v1 =	vadd.f32 v1, v6  }
0xcc: {  	v3 =	vld [tilespmem:s23+$0xFFFFFFF0];
	v0 =	vadd.f32 v0, v8;
	[tilespmem:s21+$0x10] =	vst v2  }
0xcd: {  	v2 =	vld [tilespmem:s23+$0x0];
	[tilespmem:s21+$0x20] =	vst v1  }
0xce: {  	v1 =	vld [tilespmem:s23+$0x10];
	[tilespmem:s21+$0xFFFFFFC0] =	vst v0  }
0xcf: {  	v5 =	vld [tilespmem:s23+$0x20]  }
0xd0: {  	s20 =	sadd.s32 $0x80, s20;
	v6 =	vld.idx.msk [tilespmem:v12+s7+$0x0], $0xffff  }
0xd1: {  	v8 =	vld [tilespmem:s20+$0x30]  }
0xd2: {  	v0 =	vld.idx.msk [tilespmem:v9+s7+$0x0], $0xffff  }
0xd3: {  	v10 =	vld.idx.msk [tilespmem:v7+s7+$0x0], $0xffff  }
0xd4: {  	v12 =	vld.idx.msk [tilespmem:v4+s7+$0x0], $0xffff  }
0xd5: {  	v4 =	vld.idx.msk [tilespmem:v3+s7+$0x0], $0xffff  }
0xd6: {  	v3 =	vld.idx.msk [tilespmem:v2+s7+$0x0], $0xffff;
	v6 =	vadd.f32 v6, v8  }
0xd7: {  	s21 =	sadd.s32 $0x80, s21;
	v2 =	vld.idx.msk [tilespmem:v1+s7+$0x0], $0xffff  }
0xd8: {  	s8 =	simm.s32 $0x770;
	v1 =	vld.idx.msk [tilespmem:v5+s7+$0x0], $0xffff;
	[tilespmem:s21+$0x30] =	vst v6  }
0xd9: {  	v6 =	vld [tilespmem:s20+$0xFFFFFFD0]  }
0xda: {  	v13 =	vld [tilespmem:s20+$0xFFFFFFE0]  }
.Ltmp5:
0xdb: {  	v9 =	vld [tilespmem:s20+$0xFFFFFFF0];
	(pc) =	sbr.rel @p3 .LBB2_31-.Ltmp5, $4  }
0xdc: {  	v7 =	vld [tilespmem:s20+$0x0]  }
0xdd: {  	v5 =	vld [tilespmem:s20+$0x10]  }
0xde: {  	v11 =	vadd.f32 v10, v6;
	v6 =	vld [tilespmem:s20+$0x20]  }
0xdf: {  	s23 =	sadd.s32 $0x80, s23;
	v8 =	vld [tilespmem:s20+$0xFFFFFFC0];
	v10 =	vadd.f32 v12, v13  }
0xe0: {  	[tilespmem:s21+$0xFFFFFFD0] =	vst v11;
	v4 =	vadd.f32 v4, v9  }
0xe1: {  	[tilespmem:s21+$0xFFFFFFE0] =	vst v10;
	v3 =	vadd.f32 v3, v7  }
0xe2: {  	[tilespmem:s21+$0xFFFFFFF0] =	vst v4;
	v2 =	vadd.f32 v2, v5  }
0xe3: {  	[tilespmem:s21+$0x0] =	vst v3;
	v1 =	vadd.f32 v1, v6  }
0xe4: {  	v0 =	vadd.f32 v0, v8;
	[tilespmem:s21+$0x10] =	vst v2  }
0xe5: {  	[tilespmem:s21+$0x20] =	vst v1  }
0xe6: {  	[tilespmem:s21+$0xFFFFFFC0] =	vst v0  }
.LBB2_33:
0xe7: {  	v0 =	vld [tilespmem:s17+$0x0];
	_ =	sdelay $0x6  }
0xe8: {  	v1 =	vld [tilespmem:s1+$0x0]  }
0xe9: {  	v0 =	vld.idx.msk [tilespmem:v0+s7+$0x0], $0xffff  }
0xea: {  	s8 =	sadd.s32 $0x10, s8  }
0xeb: {  	p3 =	slt.u32 s8, $0x7C0  }
.Ltmp6:
0xec: {  	_ = 	snop;
	(pc) =	sbr.rel @p3 .LBB2_33-.Ltmp6, $3  }
0xed: {  	_ = 	snop  }
0xee: {  	v0 =	vadd.f32 v0, v1;
	_ =	sdelay $0x1  }
0xef: {  	s17 =	sadd.s32 $0x10, s17;
	s1 =	sadd.s32 $0x10, s1;
	[tilespmem:s15+$0x0] =	vst v0;
	s15 =	sadd.s32 $0x10, s15  }
0xf0: {  	s1 =	rddreg [dreg:$0x1b]  }
0xf1: {  	s1 =	sadd.s32 s14, s1  }
0xf2: {  	s1 =	sshrl.u32 s1, $0x3  }
0xf3: {  	s1 =	sadd.s32 s6, s1  }
0xf4: {  	[hbm4b:s1+s7] =	stream.linear.scatter [tilespmem:s13], [sflag:$0x5], $0x7D0, $0x38;
	[tilespmem:$0x1FF00] =	vst v63  }
0xf5: {  	s1 =	sadd.s32 @!p2 s14, s29  }
0xf6: {  	s1 =	sshrl.u32 @!p2 s1, $0x3  }
0xf7: {  	s15 =	simm.s32 @!p2 $0x0;
	s17 =	simm.s32 @!p2 $0x19F00;
	s8 =	sadd.s32 @!p2 s5, s1  }
0xf8: {  	[tilespmem:s17], [sflag:$0x4] =	stream.linear.gather @!p2 [hbm4b:s8+s15], $0x7D0, $0x38;
	[tilespmem:$0x1FF00] =	vst v63  }
0xf9: {  	s1 =	sadd.s32 @!p2 s3, s1;
	s8 =	simm.s32 @!p2 $0x1A700  }
0xfa: {  	[tilespmem:s8], [sflag:$0x4] =	stream.linear.gather @!p2 [hbm4b:s1+s15], $0x7D0, $0x38;
	[tilespmem:$0x1FF00] =	vst v63  }
0xfb: {  	_ =	swait.ge [sflag:s16], $0x7D0  }
0xfc: {  	[sflag:s16] =	ssyncset.done $0x0  }
0xfd: {  	[sflag:s16] =	ssyncadd.s32 $0xFFFFF830  }
0xfe: {  	_ =	swait.ge [sflag:s16], $0x7D0  }
0xff: {  	[sflag:s16] =	ssyncset.done $0x0  }
0x100: {  	s1 =	simm.s32 @!p1 $0x7;
	[sflag:s16] =	ssyncadd.s32 $0xFFFFF830  }
0x101: {  	_ =	swait.ge @!p1 [sflag:s1], $0x7D0  }
0x102: {  	[sflag:s1] =	ssyncset.done @!p1 $0x0  }
0x103: {  	s23 =	simm.s32 $0x1B740;
	[sflag:s1] =	ssyncadd.s32 @!p1 $0xFFFFF830  }
0x104: {  	v0 =	vld [tilespmem:s23+$0x30]  }
0x105: {  	v1 =	vld [tilespmem:s23+$0xFFFFFFC0]  }
0x106: {  	v2 =	vld [tilespmem:s23+$0xFFFFFFD0]  }
0x107: {  	v3 =	vld [tilespmem:s23+$0xFFFFFFE0]  }
0x108: {  	v4 =	vld [tilespmem:s23+$0xFFFFFFF0]  }
0x109: {  	v5 =	vld [tilespmem:s23+$0x0]  }
0x10a: {  	v6 =	vld [tilespmem:s23+$0x10]  }
0x10b: {  	s20 =	simm.s32 $0x1BF40;
	v7 =	vld [tilespmem:s23+$0x20]  }
0x10c: {  	v10 =	vld [tilespmem:s20+$0x30]  }
0x10d: {  	v13 =	vld [tilespmem:s20+$0xFFFFFFD0]  }
0x10e: {  	v14 =	vld [tilespmem:s20+$0xFFFFFFE0]  }
0x10f: {  	v9 =	vld [tilespmem:s20+$0xFFFFFFF0]  }
0x110: {  	v8 =	vld.idx.msk [tilespmem:v0+s7+$0x0], $0xffff  }
0x111: {  	v0 =	vld.idx.msk [tilespmem:v1+s7+$0x0], $0xffff  }
0x112: {  	v11 =	vld.idx.msk [tilespmem:v2+s7+$0x0], $0xffff  }
0x113: {  	v12 =	vld.idx.msk [tilespmem:v3+s7+$0x0], $0xffff  }
0x114: {  	v4 =	vld.idx.msk [tilespmem:v4+s7+$0x0], $0xffff  }
0x115: {  	v3 =	vld.idx.msk [tilespmem:v5+s7+$0x0], $0xffff  }
0x116: {  	v2 =	vld.idx.msk [tilespmem:v6+s7+$0x0], $0xffff  }
0x117: {  	v1 =	vld.idx.msk [tilespmem:v7+s7+$0x0], $0xffff  }
0x118: {  	v7 =	vld [tilespmem:s20+$0x0]  }
0x119: {  	v5 =	vld [tilespmem:s20+$0x10];
	v8 =	vadd.f32 v8, v10  }
0x11a: {  	s21 =	simm.s32 $0x1C740;
	s22 =	simm.s32 $0x0;
	s17 =	simm.s32 $0x1BE80;
	v6 =	vld [tilespmem:s20+$0x20];
	v11 =	vadd.f32 v11, v13  }
0x11b: {  	s15 =	simm.s32 $0x1CE80;
	s1 =	simm.s32 $0x1C680;
	s23 =	simm.s32 $0x1B7C0;
	v10 =	vadd.f32 v12, v14;
	[tilespmem:s21+$0x30] =	vst v8;
	v8 =	vld [tilespmem:s20+$0xFFFFFFC0]  }
.LBB2_35:
0x11c: {  	v12 =	vld [tilespmem:s23+$0x30];
	s22 =	sadd.s32 $0x80, s22;
	[tilespmem:s21+$0xFFFFFFD0] =	vst v11;
	v4 =	vadd.f32 v4, v9  }
0x11d: {  	v9 =	vld [tilespmem:s23+$0xFFFFFFC0];
	p3 =	slt.u32 s22, $0x700;
	[tilespmem:s21+$0xFFFFFFE0] =	vst v10;
	v3 =	vadd.f32 v3, v7  }
0x11e: {  	v7 =	vld [tilespmem:s23+$0xFFFFFFD0];
	[tilespmem:s21+$0xFFFFFFF0] =	vst v4;
	v2 =	vadd.f32 v2, v5  }
0x11f: {  	v4 =	vld [tilespmem:s23+$0xFFFFFFE0];
	[tilespmem:s21+$0x0] =	vst v3;
	v1 =	vadd.f32 v1, v6  }
0x120: {  	v3 =	vld [tilespmem:s23+$0xFFFFFFF0];
	v0 =	vadd.f32 v0, v8;
	[tilespmem:s21+$0x10] =	vst v2  }
0x121: {  	v2 =	vld [tilespmem:s23+$0x0];
	[tilespmem:s21+$0x20] =	vst v1  }
0x122: {  	v1 =	vld [tilespmem:s23+$0x10];
	[tilespmem:s21+$0xFFFFFFC0] =	vst v0  }
0x123: {  	v5 =	vld [tilespmem:s23+$0x20]  }
0x124: {  	s20 =	sadd.s32 $0x80, s20;
	v6 =	vld.idx.msk [tilespmem:v12+s7+$0x0], $0xffff  }
0x125: {  	v8 =	vld [tilespmem:s20+$0x30]  }
0x126: {  	v0 =	vld.idx.msk [tilespmem:v9+s7+$0x0], $0xffff  }
0x127: {  	v10 =	vld.idx.msk [tilespmem:v7+s7+$0x0], $0xffff  }
0x128: {  	v12 =	vld.idx.msk [tilespmem:v4+s7+$0x0], $0xffff  }
0x129: {  	v4 =	vld.idx.msk [tilespmem:v3+s7+$0x0], $0xffff  }
0x12a: {  	v3 =	vld.idx.msk [tilespmem:v2+s7+$0x0], $0xffff;
	v6 =	vadd.f32 v6, v8  }
0x12b: {  	s21 =	sadd.s32 $0x80, s21;
	v2 =	vld.idx.msk [tilespmem:v1+s7+$0x0], $0xffff  }
0x12c: {  	s8 =	simm.s32 $0x770;
	v1 =	vld.idx.msk [tilespmem:v5+s7+$0x0], $0xffff;
	[tilespmem:s21+$0x30] =	vst v6  }
0x12d: {  	v6 =	vld [tilespmem:s20+$0xFFFFFFD0]  }
0x12e: {  	v13 =	vld [tilespmem:s20+$0xFFFFFFE0]  }
.Ltmp7:
0x12f: {  	v9 =	vld [tilespmem:s20+$0xFFFFFFF0];
	(pc) =	sbr.rel @p3 .LBB2_35-.Ltmp7, $4  }
0x130: {  	v7 =	vld [tilespmem:s20+$0x0]  }
0x131: {  	v5 =	vld [tilespmem:s20+$0x10]  }
0x132: {  	v11 =	vadd.f32 v10, v6;
	v6 =	vld [tilespmem:s20+$0x20]  }
0x133: {  	s23 =	sadd.s32 $0x80, s23;
	v8 =	vld [tilespmem:s20+$0xFFFFFFC0];
	v10 =	vadd.f32 v12, v13  }
0x134: {  	[tilespmem:s21+$0xFFFFFFD0] =	vst v11;
	v4 =	vadd.f32 v4, v9  }
0x135: {  	[tilespmem:s21+$0xFFFFFFE0] =	vst v10;
	v3 =	vadd.f32 v3, v7  }
0x136: {  	[tilespmem:s21+$0xFFFFFFF0] =	vst v4;
	v2 =	vadd.f32 v2, v5  }
0x137: {  	[tilespmem:s21+$0x0] =	vst v3;
	v1 =	vadd.f32 v1, v6  }
0x138: {  	v0 =	vadd.f32 v0, v8;
	[tilespmem:s21+$0x10] =	vst v2  }
0x139: {  	[tilespmem:s21+$0x20] =	vst v1  }
0x13a: {  	[tilespmem:s21+$0xFFFFFFC0] =	vst v0  }
.LBB2_37:
0x13b: {  	v0 =	vld [tilespmem:s17+$0x0];
	_ =	sdelay $0x6  }
0x13c: {  	v1 =	vld [tilespmem:s1+$0x0]  }
0x13d: {  	v0 =	vld.idx.msk [tilespmem:v0+s7+$0x0], $0xffff  }
0x13e: {  	s8 =	sadd.s32 $0x10, s8  }
0x13f: {  	p3 =	slt.u32 s8, $0x7C0  }
.Ltmp8:
0x140: {  	_ = 	snop;
	(pc) =	sbr.rel @p3 .LBB2_37-.Ltmp8, $3  }
0x141: {  	_ = 	snop  }
0x142: {  	v0 =	vadd.f32 v0, v1;
	_ =	sdelay $0x1  }
0x143: {  	s17 =	sadd.s32 $0x10, s17;
	s1 =	sadd.s32 $0x10, s1;
	[tilespmem:s15+$0x0] =	vst v0;
	s15 =	sadd.s32 $0x10, s15  }
0x144: {  	s1 =	rddreg [dreg:$0x1c]  }
0x145: {  	s1 =	sadd.s32 s14, s1  }
0x146: {  	s1 =	sshrl.u32 s1, $0x3  }
0x147: {  	s1 =	sadd.s32 s6, s1  }
0x148: {  	[hbm4b:s1+s7] =	stream.linear.scatter [tilespmem:s18], [sflag:$0x7], $0x7D0, $0x38;
	[tilespmem:$0x1FF00] =	vst v63  }
0x149: {  	s1 =	sadd.s32 @!p2 s14, s30  }
0x14a: {  	s1 =	sshrl.u32 @!p2 s1, $0x3  }
0x14b: {  	s15 =	simm.s32 @!p2 $0x0;
	s17 =	simm.s32 @!p2 $0x1B700;
	s8 =	sadd.s32 @!p2 s5, s1  }
0x14c: {  	[tilespmem:s17], [sflag:$0x6] =	stream.linear.gather @!p2 [hbm4b:s8+s15], $0x7D0, $0x38;
	[tilespmem:$0x1FF00] =	vst v63  }
0x14d: {  	s1 =	sadd.s32 @!p2 s3, s1;
	s8 =	simm.s32 @!p2 $0x1BF00  }
0x14e: {  	[tilespmem:s8], [sflag:$0x6] =	stream.linear.gather @!p2 [hbm4b:s1+s15], $0x7D0, $0x38;
	[tilespmem:$0x1FF00] =	vst v63  }
0x14f: {  	_ =	swait.ge [sflag:s25], $0x7D0  }
0x150: {  	[sflag:s25] =	ssyncset.done $0x0  }
0x151: {  	[sflag:s25] =	ssyncadd.s32 $0xFFFFF830  }
0x152: {  	_ =	swait.ge [sflag:s25], $0x7D0  }
0x153: {  	[sflag:s25] =	ssyncset.done $0x0  }
0x154: {  	s1 =	simm.s32 @!p1 $0x9;
	[sflag:s25] =	ssyncadd.s32 $0xFFFFF830  }
0x155: {  	_ =	swait.ge @!p1 [sflag:s1], $0x7D0  }
0x156: {  	[sflag:s1] =	ssyncset.done @!p1 $0x0  }
0x157: {  	s23 =	simm.s32 $0x1CF40;
	[sflag:s1] =	ssyncadd.s32 @!p1 $0xFFFFF830  }
0x158: {  	v0 =	vld [tilespmem:s23+$0x30]  }
0x159: {  	v1 =	vld [tilespmem:s23+$0xFFFFFFC0]  }
0x15a: {  	v2 =	vld [tilespmem:s23+$0xFFFFFFD0]  }
0x15b: {  	v3 =	vld [tilespmem:s23+$0xFFFFFFE0]  }
0x15c: {  	v4 =	vld [tilespmem:s23+$0xFFFFFFF0]  }
0x15d: {  	v5 =	vld [tilespmem:s23+$0x0]  }
0x15e: {  	v6 =	vld [tilespmem:s23+$0x10]  }
0x15f: {  	s20 =	simm.s32 $0x1D740;
	v7 =	vld [tilespmem:s23+$0x20]  }
0x160: {  	v10 =	vld [tilespmem:s20+$0x30]  }
0x161: {  	v13 =	vld [tilespmem:s20+$0xFFFFFFD0]  }
0x162: {  	v14 =	vld [tilespmem:s20+$0xFFFFFFE0]  }
0x163: {  	v9 =	vld [tilespmem:s20+$0xFFFFFFF0]  }
0x164: {  	v8 =	vld.idx.msk [tilespmem:v0+s7+$0x0], $0xffff  }
0x165: {  	v0 =	vld.idx.msk [tilespmem:v1+s7+$0x0], $0xffff  }
0x166: {  	v11 =	vld.idx.msk [tilespmem:v2+s7+$0x0], $0xffff  }
0x167: {  	v12 =	vld.idx.msk [tilespmem:v3+s7+$0x0], $0xffff  }
0x168: {  	v4 =	vld.idx.msk [tilespmem:v4+s7+$0x0], $0xffff  }
0x169: {  	v3 =	vld.idx.msk [tilespmem:v5+s7+$0x0], $0xffff  }
0x16a: {  	v2 =	vld.idx.msk [tilespmem:v6+s7+$0x0], $0xffff  }
0x16b: {  	v1 =	vld.idx.msk [tilespmem:v7+s7+$0x0], $0xffff  }
0x16c: {  	v7 =	vld [tilespmem:s20+$0x0]  }
0x16d: {  	v5 =	vld [tilespmem:s20+$0x10];
	v8 =	vadd.f32 v8, v10  }
0x16e: {  	s21 =	simm.s32 $0x1DF40;
	s22 =	simm.s32 $0x0;
	s17 =	simm.s32 $0x1D680;
	v6 =	vld [tilespmem:s20+$0x20];
	v11 =	vadd.f32 v11, v13  }
0x16f: {  	s15 =	simm.s32 $0x1E680;
	s1 =	simm.s32 $0x1DE80;
	s23 =	simm.s32 $0x1CFC0;
	v10 =	vadd.f32 v12, v14;
	[tilespmem:s21+$0x30] =	vst v8;
	v8 =	vld [tilespmem:s20+$0xFFFFFFC0]  }
.LBB2_39:
0x170: {  	v12 =	vld [tilespmem:s23+$0x30];
	s22 =	sadd.s32 $0x80, s22;
	[tilespmem:s21+$0xFFFFFFD0] =	vst v11;
	v4 =	vadd.f32 v4, v9  }
0x171: {  	v9 =	vld [tilespmem:s23+$0xFFFFFFC0];
	p3 =	slt.u32 s22, $0x700;
	[tilespmem:s21+$0xFFFFFFE0] =	vst v10;
	v3 =	vadd.f32 v3, v7  }
0x172: {  	v7 =	vld [tilespmem:s23+$0xFFFFFFD0];
	[tilespmem:s21+$0xFFFFFFF0] =	vst v4;
	v2 =	vadd.f32 v2, v5  }
0x173: {  	v4 =	vld [tilespmem:s23+$0xFFFFFFE0];
	[tilespmem:s21+$0x0] =	vst v3;
	v1 =	vadd.f32 v1, v6  }
0x174: {  	v3 =	vld [tilespmem:s23+$0xFFFFFFF0];
	v0 =	vadd.f32 v0, v8;
	[tilespmem:s21+$0x10] =	vst v2  }
0x175: {  	v2 =	vld [tilespmem:s23+$0x0];
	[tilespmem:s21+$0x20] =	vst v1  }
0x176: {  	v1 =	vld [tilespmem:s23+$0x10];
	[tilespmem:s21+$0xFFFFFFC0] =	vst v0  }
0x177: {  	v5 =	vld [tilespmem:s23+$0x20]  }
0x178: {  	s20 =	sadd.s32 $0x80, s20;
	v6 =	vld.idx.msk [tilespmem:v12+s7+$0x0], $0xffff  }
0x179: {  	v8 =	vld [tilespmem:s20+$0x30]  }
0x17a: {  	v0 =	vld.idx.msk [tilespmem:v9+s7+$0x0], $0xffff  }
0x17b: {  	v10 =	vld.idx.msk [tilespmem:v7+s7+$0x0], $0xffff  }
0x17c: {  	v12 =	vld.idx.msk [tilespmem:v4+s7+$0x0], $0xffff  }
0x17d: {  	v4 =	vld.idx.msk [tilespmem:v3+s7+$0x0], $0xffff  }
0x17e: {  	v3 =	vld.idx.msk [tilespmem:v2+s7+$0x0], $0xffff;
	v6 =	vadd.f32 v6, v8  }
0x17f: {  	s21 =	sadd.s32 $0x80, s21;
	v2 =	vld.idx.msk [tilespmem:v1+s7+$0x0], $0xffff  }
0x180: {  	s8 =	simm.s32 $0x770;
	v1 =	vld.idx.msk [tilespmem:v5+s7+$0x0], $0xffff;
	[tilespmem:s21+$0x30] =	vst v6  }
0x181: {  	v6 =	vld [tilespmem:s20+$0xFFFFFFD0]  }
0x182: {  	v13 =	vld [tilespmem:s20+$0xFFFFFFE0]  }
.Ltmp9:
0x183: {  	v9 =	vld [tilespmem:s20+$0xFFFFFFF0];
	(pc) =	sbr.rel @p3 .LBB2_39-.Ltmp9, $4  }
0x184: {  	v7 =	vld [tilespmem:s20+$0x0]  }
0x185: {  	v5 =	vld [tilespmem:s20+$0x10]  }
0x186: {  	v11 =	vadd.f32 v10, v6;
	v6 =	vld [tilespmem:s20+$0x20]  }
0x187: {  	s23 =	sadd.s32 $0x80, s23;
	v8 =	vld [tilespmem:s20+$0xFFFFFFC0];
	v10 =	vadd.f32 v12, v13  }
0x188: {  	[tilespmem:s21+$0xFFFFFFD0] =	vst v11;
	v4 =	vadd.f32 v4, v9  }
0x189: {  	[tilespmem:s21+$0xFFFFFFE0] =	vst v10;
	v3 =	vadd.f32 v3, v7  }
0x18a: {  	[tilespmem:s21+$0xFFFFFFF0] =	vst v4;
	v2 =	vadd.f32 v2, v5  }
0x18b: {  	[tilespmem:s21+$0x0] =	vst v3;
	v1 =	vadd.f32 v1, v6  }
0x18c: {  	v0 =	vadd.f32 v0, v8;
	[tilespmem:s21+$0x10] =	vst v2  }
0x18d: {  	[tilespmem:s21+$0x20] =	vst v1  }
0x18e: {  	[tilespmem:s21+$0xFFFFFFC0] =	vst v0  }
.LBB2_41:
0x18f: {  	v0 =	vld [tilespmem:s17+$0x0];
	_ =	sdelay $0x6  }
0x190: {  	v1 =	vld [tilespmem:s1+$0x0]  }
0x191: {  	v0 =	vld.idx.msk [tilespmem:v0+s7+$0x0], $0xffff  }
0x192: {  	s8 =	sadd.s32 $0x10, s8  }
0x193: {  	p3 =	slt.u32 s8, $0x7C0  }
.Ltmp10:
0x194: {  	_ = 	snop;
	(pc) =	sbr.rel @p3 .LBB2_41-.Ltmp10, $3  }
0x195: {  	_ = 	snop  }
0x196: {  	v0 =	vadd.f32 v0, v1;
	_ =	sdelay $0x1  }
0x197: {  	s17 =	sadd.s32 $0x10, s17;
	s1 =	sadd.s32 $0x10, s1;
	[tilespmem:s15+$0x0] =	vst v0;
	s15 =	sadd.s32 $0x10, s15  }
0x198: {  	s1 =	rddreg [dreg:$0x1e]  }
0x199: {  	s1 =	sadd.s32 s14, s1  }
0x19a: {  	s1 =	sshrl.u32 s1, $0x3  }
0x19b: {  	s1 =	sadd.s32 s6, s1  }
0x19c: {  	[hbm4b:s1+s7] =	stream.linear.scatter [tilespmem:s19], [sflag:$0x9], $0x7D0, $0x38;
	[tilespmem:$0x1FF00] =	vst v63  }
0x19d: {  	s1 =	sadd.s32 @!p2 s14, s31  }
0x19e: {  	s1 =	sshrl.u32 @!p2 s1, $0x3  }
0x19f: {  	s15 =	simm.s32 @!p2 $0x0;
	s17 =	simm.s32 @!p2 $0x1CF00;
	s8 =	sadd.s32 @!p2 s5, s1  }
0x1a0: {  	[tilespmem:s17], [sflag:$0x8] =	stream.linear.gather @!p2 [hbm4b:s8+s15], $0x7D0, $0x38;
	[tilespmem:$0x1FF00] =	vst v63  }
0x1a1: {  	s1 =	sadd.s32 @!p2 s3, s1;
	s8 =	simm.s32 @!p2 $0x1D700  }
0x1a2: {  	[tilespmem:s8], [sflag:$0x8] =	stream.linear.gather @!p2 [hbm4b:s1+s15], $0x7D0, $0x38;
	[tilespmem:$0x1FF00] =	vst v63  }
0x1a3: {  	_ =	swait.ge [sflag:s26], $0x7D0  }
0x1a4: {  	[sflag:s26] =	ssyncset.done $0x0  }
0x1a5: {  	[sflag:s26] =	ssyncadd.s32 $0xFFFFF830  }
0x1a6: {  	_ =	swait.ge [sflag:s26], $0x7D0  }
0x1a7: {  	[sflag:s26] =	ssyncset.done $0x0  }
0x1a8: {  	s1 =	simm.s32 @!p1 $0xB;
	[sflag:s26] =	ssyncadd.s32 $0xFFFFF830  }
0x1a9: {  	_ =	swait.ge @!p1 [sflag:s1], $0x7D0  }
0x1aa: {  	[sflag:s1] =	ssyncset.done @!p1 $0x0  }
0x1ab: {  	s23 =	simm.s32 $0x1E740;
	[sflag:s1] =	ssyncadd.s32 @!p1 $0xFFFFF830  }
0x1ac: {  	v0 =	vld [tilespmem:s23+$0x30]  }
0x1ad: {  	v1 =	vld [tilespmem:s23+$0xFFFFFFC0]  }
0x1ae: {  	v2 =	vld [tilespmem:s23+$0xFFFFFFD0]  }
0x1af: {  	v3 =	vld [tilespmem:s23+$0xFFFFFFE0]  }
0x1b0: {  	v4 =	vld [tilespmem:s23+$0xFFFFFFF0]  }
0x1b1: {  	v5 =	vld [tilespmem:s23+$0x0]  }
0x1b2: {  	v6 =	vld [tilespmem:s23+$0x10]  }
0x1b3: {  	s20 =	simm.s32 $0x1EF40;
	v7 =	vld [tilespmem:s23+$0x20]  }
0x1b4: {  	v10 =	vld [tilespmem:s20+$0x30]  }
0x1b5: {  	v13 =	vld [tilespmem:s20+$0xFFFFFFD0]  }
0x1b6: {  	v14 =	vld [tilespmem:s20+$0xFFFFFFE0]  }
0x1b7: {  	v9 =	vld [tilespmem:s20+$0xFFFFFFF0]  }
0x1b8: {  	v8 =	vld.idx.msk [tilespmem:v0+s7+$0x0], $0xffff  }
0x1b9: {  	v0 =	vld.idx.msk [tilespmem:v1+s7+$0x0], $0xffff  }
0x1ba: {  	v11 =	vld.idx.msk [tilespmem:v2+s7+$0x0], $0xffff  }
0x1bb: {  	v12 =	vld.idx.msk [tilespmem:v3+s7+$0x0], $0xffff  }
0x1bc: {  	v4 =	vld.idx.msk [tilespmem:v4+s7+$0x0], $0xffff  }
0x1bd: {  	v3 =	vld.idx.msk [tilespmem:v5+s7+$0x0], $0xffff  }
0x1be: {  	v2 =	vld.idx.msk [tilespmem:v6+s7+$0x0], $0xffff  }
0x1bf: {  	v1 =	vld.idx.msk [tilespmem:v7+s7+$0x0], $0xffff  }
0x1c0: {  	v7 =	vld [tilespmem:s20+$0x0]  }
0x1c1: {  	v5 =	vld [tilespmem:s20+$0x10];
	v8 =	vadd.f32 v8, v10  }
0x1c2: {  	s21 =	simm.s32 $0x1F740;
	s22 =	simm.s32 $0x0;
	s17 =	simm.s32 $0x1EE80;
	v6 =	vld [tilespmem:s20+$0x20];
	v11 =	vadd.f32 v11, v13  }
0x1c3: {  	s15 =	simm.s32 $0x1FE80;
	s1 =	simm.s32 $0x1F680;
	s23 =	simm.s32 $0x1E7C0;
	v10 =	vadd.f32 v12, v14;
	[tilespmem:s21+$0x30] =	vst v8;
	v8 =	vld [tilespmem:s20+$0xFFFFFFC0]  }
.LBB2_43:
0x1c4: {  	v12 =	vld [tilespmem:s23+$0x30];
	s22 =	sadd.s32 $0x80, s22;
	[tilespmem:s21+$0xFFFFFFD0] =	vst v11;
	v4 =	vadd.f32 v4, v9  }
0x1c5: {  	v9 =	vld [tilespmem:s23+$0xFFFFFFC0];
	p1 =	slt.u32 s22, $0x700;
	[tilespmem:s21+$0xFFFFFFE0] =	vst v10;
	v3 =	vadd.f32 v3, v7  }
0x1c6: {  	v7 =	vld [tilespmem:s23+$0xFFFFFFD0];
	[tilespmem:s21+$0xFFFFFFF0] =	vst v4;
	v2 =	vadd.f32 v2, v5  }
0x1c7: {  	v4 =	vld [tilespmem:s23+$0xFFFFFFE0];
	[tilespmem:s21+$0x0] =	vst v3;
	v1 =	vadd.f32 v1, v6  }
0x1c8: {  	v3 =	vld [tilespmem:s23+$0xFFFFFFF0];
	v0 =	vadd.f32 v0, v8;
	[tilespmem:s21+$0x10] =	vst v2  }
0x1c9: {  	v2 =	vld [tilespmem:s23+$0x0];
	[tilespmem:s21+$0x20] =	vst v1  }
0x1ca: {  	v1 =	vld [tilespmem:s23+$0x10];
	[tilespmem:s21+$0xFFFFFFC0] =	vst v0  }
0x1cb: {  	v5 =	vld [tilespmem:s23+$0x20]  }
0x1cc: {  	s20 =	sadd.s32 $0x80, s20;
	v6 =	vld.idx.msk [tilespmem:v12+s7+$0x0], $0xffff  }
0x1cd: {  	v8 =	vld [tilespmem:s20+$0x30]  }
0x1ce: {  	v0 =	vld.idx.msk [tilespmem:v9+s7+$0x0], $0xffff  }
0x1cf: {  	v10 =	vld.idx.msk [tilespmem:v7+s7+$0x0], $0xffff  }
0x1d0: {  	v12 =	vld.idx.msk [tilespmem:v4+s7+$0x0], $0xffff  }
0x1d1: {  	v4 =	vld.idx.msk [tilespmem:v3+s7+$0x0], $0xffff  }
0x1d2: {  	v3 =	vld.idx.msk [tilespmem:v2+s7+$0x0], $0xffff;
	v6 =	vadd.f32 v6, v8  }
0x1d3: {  	s21 =	sadd.s32 $0x80, s21;
	v2 =	vld.idx.msk [tilespmem:v1+s7+$0x0], $0xffff  }
0x1d4: {  	s8 =	simm.s32 $0x770;
	v1 =	vld.idx.msk [tilespmem:v5+s7+$0x0], $0xffff;
	[tilespmem:s21+$0x30] =	vst v6  }
0x1d5: {  	v6 =	vld [tilespmem:s20+$0xFFFFFFD0]  }
0x1d6: {  	v13 =	vld [tilespmem:s20+$0xFFFFFFE0]  }
.Ltmp11:
0x1d7: {  	v9 =	vld [tilespmem:s20+$0xFFFFFFF0];
	(pc) =	sbr.rel @p1 .LBB2_43-.Ltmp11, $4  }
0x1d8: {  	v7 =	vld [tilespmem:s20+$0x0]  }
0x1d9: {  	v5 =	vld [tilespmem:s20+$0x10]  }
0x1da: {  	v11 =	vadd.f32 v10, v6;
	v6 =	vld [tilespmem:s20+$0x20]  }
0x1db: {  	s23 =	sadd.s32 $0x80, s23;
	v8 =	vld [tilespmem:s20+$0xFFFFFFC0];
	v10 =	vadd.f32 v12, v13  }
0x1dc: {  	[tilespmem:s21+$0xFFFFFFD0] =	vst v11;
	v4 =	vadd.f32 v4, v9  }
0x1dd: {  	[tilespmem:s21+$0xFFFFFFE0] =	vst v10;
	v3 =	vadd.f32 v3, v7  }
0x1de: {  	[tilespmem:s21+$0xFFFFFFF0] =	vst v4;
	v2 =	vadd.f32 v2, v5  }
0x1df: {  	[tilespmem:s21+$0x0] =	vst v3;
	v1 =	vadd.f32 v1, v6  }
0x1e0: {  	v0 =	vadd.f32 v0, v8;
	[tilespmem:s21+$0x10] =	vst v2  }
0x1e1: {  	[tilespmem:s21+$0x20] =	vst v1  }
0x1e2: {  	[tilespmem:s21+$0xFFFFFFC0] =	vst v0  }
.LBB2_45:
0x1e3: {  	v0 =	vld [tilespmem:s17+$0x0];
	_ =	sdelay $0x6  }
0x1e4: {  	v1 =	vld [tilespmem:s1+$0x0]  }
0x1e5: {  	v0 =	vld.idx.msk [tilespmem:v0+s7+$0x0], $0xffff  }
0x1e6: {  	s8 =	sadd.s32 $0x10, s8  }
0x1e7: {  	p1 =	slt.u32 s8, $0x7C0  }
.Ltmp12:
0x1e8: {  	_ = 	snop;
	(pc) =	sbr.rel @p1 .LBB2_45-.Ltmp12, $3  }
0x1e9: {  	_ = 	snop  }
0x1ea: {  	v0 =	vadd.f32 v0, v1;
	_ =	sdelay $0x1  }
0x1eb: {  	s17 =	sadd.s32 $0x10, s17;
	s1 =	sadd.s32 $0x10, s1;
	[tilespmem:s15+$0x0] =	vst v0;
	s15 =	sadd.s32 $0x10, s15  }
.Ltmp13:
0x1ec: {  	s1 =	rddreg [dreg:$0x1f];
	(pc) =	sbr.rel @p2 .LBB2_48-.Ltmp13, $4  }
0x1ed: {  	s1 =	sadd.s32 s14, s1  }
0x1ee: {  	s1 =	sshrl.u32 s1, $0x3  }
0x1ef: {  	s1 =	sadd.s32 s6, s1  }
0x1f0: {  	[hbm4b:s1+s7] =	stream.linear.scatter [tilespmem:s10], [sflag:$0xB], $0x7D0, $0x38;
	[tilespmem:$0x1FF00] =	vst v63  }
0x1f1: {  	s1 =	sadd.s32 s14, s0  }
.Ltmp14:
0x1f2: {  	s1 =	sshrl.u32 s1, $0x3;
	(pc) =	sbr.rel .LBB2_26-.Ltmp14, $4  }
0x1f3: {  	s8 =	sadd.s32 s5, s1  }
0x1f4: {  	[tilespmem:s24], [sflag:$0xA] =	stream.linear.gather [hbm4b:s8+s7], $0x7D0, $0x38;
	[tilespmem:$0x1FF00] =	vst v63  }
0x1f5: {  	s23 =	simm.s32 $0x1EF00;
	s12 =	sadd.s32 $0x1, s12;
	s1 =	sadd.s32 s3, s1  }
0x1f6: {  	[tilespmem:s23], [sflag:$0xA] =	stream.linear.gather [hbm4b:s1+s7], $0x7D0, $0x38;
	[tilespmem:$0x1FF00] =	vst v63  }
.LBB2_2:
0x1f7: {  	s1 =	rddreg [dreg:$0x0]  }
0x1f8: {  	[tilespmem:s12], [sflag:$0x1] =	stream.linear.gather [hbm4b:s1+s12], $0x186A0, $0x38;
	[tilespmem:$0x1FF00] =	vst v63  }
0x1f9: {  	s21 =	rddreg [dreg:$0x6];
	s8 =	simm.s32 $0x18700  }
0x1fa: {  	[tilespmem:s8], [sflag:$0x2] =	stream.linear.gather [hbm4b:s21+s12], $0x7D0, $0x38;
	[tilespmem:$0x1FF00] =	vst v63  }
0x1fb: {  	s22 =	rddreg [dreg:$0x8];
	s23 =	simm.s32 $0x18F00  }
0x1fc: {  	[tilespmem:s23], [sflag:$0x2] =	stream.linear.gather [hbm4b:s22+s12], $0x7D0, $0x38;
	[tilespmem:$0x1FF00] =	vst v63  }
0x1fd: {  	s14 =	simm.s32 $0x19F00;
	s8 =	rddreg [dreg:$0xa]  }
0x1fe: {  	[tilespmem:s14], [sflag:$0x4] =	stream.linear.gather [hbm4b:s8+s12], $0x7D0, $0x38;
	[tilespmem:$0x1FF00] =	vst v63  }
0x1ff: {  	s15 =	rddreg [dreg:$0xc];
	s17 =	simm.s32 $0x1A700  }
0x200: {  	[tilespmem:s17], [sflag:$0x4] =	stream.linear.gather [hbm4b:s15+s12], $0x7D0, $0x38;
	[tilespmem:$0x1FF00] =	vst v63  }
0x201: {  	s20 =	rddreg [dreg:$0xd];
	s21 =	simm.s32 $0x1B700  }
0x202: {  	[tilespmem:s21], [sflag:$0x6] =	stream.linear.gather [hbm4b:s20+s12], $0x7D0, $0x38;
	[tilespmem:$0x1FF00] =	vst v63  }
0x203: {  	s22 =	rddreg [dreg:$0xe];
	s23 =	simm.s32 $0x1BF00  }
0x204: {  	[tilespmem:s23], [sflag:$0x6] =	stream.linear.gather [hbm4b:s22+s12], $0x7D0, $0x38;
	[tilespmem:$0x1FF00] =	vst v63  }
0x205: {  	s14 =	rddreg [dreg:$0xf];
	s15 =	simm.s32 $0x1CF00  }
0x206: {  	[tilespmem:s15], [sflag:$0x8] =	stream.linear.gather [hbm4b:s14+s12], $0x7D0, $0x38;
	[tilespmem:$0x1FF00] =	vst v63  }
0x207: {  	s17 =	rddreg [dreg:$0x10];
	s20 =	simm.s32 $0x1D700  }
0x208: {  	[tilespmem:s20], [sflag:$0x8] =	stream.linear.gather [hbm4b:s17+s12], $0x7D0, $0x38;
	[tilespmem:$0x1FF00] =	vst v63  }
0x209: {  	s21 =	rddreg [dreg:$0x16]  }
0x20a: {  	[tilespmem:s24], [sflag:$0xA] =	stream.linear.gather [hbm4b:s21+s12], $0x7D0, $0x38;
	[tilespmem:$0x1FF00] =	vst v63  }
0x20b: {  	s22 =	rddreg [dreg:$0x17];
	s23 =	simm.s32 $0x1EF00;
	s24 =	simm.s32 $0x1  }
0x20c: {  	[tilespmem:s23], [sflag:$0xA] =	stream.linear.gather [hbm4b:s22+s12], $0x7D0, $0x38;
	[tilespmem:$0x1FF00] =	vst v63  }
0x20d: {  	_ =	swait.ge [sflag:s24], $0x186A0  }
0x20e: {  	[sflag:s24] =	ssyncset.done $0x0  }
0x20f: {  	[sflag:s24] =	ssyncadd.s32 $0xFFFE7960  }
.LBB2_3:
0x210: {  	_ =	swait.ge [sflag:s4], $0x7D0  }
0x211: {  	[sflag:s4] =	ssyncset.done $0x0  }
0x212: {  	[sflag:s4] =	ssyncadd.s32 $0xFFFFF830  }
0x213: {  	_ =	swait.ge [sflag:s4], $0x7D0  }
0x214: {  	p1 =	seq.s32 s12, $0x0;
	[sflag:s4] =	ssyncset.done $0x0  }
0x215: {  	s1 =	simm.s32 @!p1 $0x3;
	[sflag:s4] =	ssyncadd.s32 $0xFFFFF830  }
0x216: {  	_ =	swait.ge @!p1 [sflag:s1], $0x7D0  }
0x217: {  	[sflag:s1] =	ssyncset.done @!p1 $0x0  }
0x218: {  	s24 =	simm.s32 $0x18740;
	[sflag:s1] =	ssyncadd.s32 @!p1 $0xFFFFF830  }
0x219: {  	v0 =	vld [tilespmem:s24+$0x30]  }
0x21a: {  	v1 =	vld [tilespmem:s24+$0xFFFFFFC0]  }
0x21b: {  	v2 =	vld [tilespmem:s24+$0xFFFFFFD0]  }
0x21c: {  	v3 =	vld [tilespmem:s24+$0xFFFFFFE0]  }
0x21d: {  	v4 =	vld [tilespmem:s24+$0xFFFFFFF0]  }
0x21e: {  	v5 =	vld [tilespmem:s24+$0x0]  }
0x21f: {  	v6 =	vld [tilespmem:s24+$0x10]  }
0x220: {  	s22 =	simm.s32 $0x18F40;
	v7 =	vld [tilespmem:s24+$0x20]  }
0x221: {  	v10 =	vld [tilespmem:s22+$0x30]  }
0x222: {  	v13 =	vld [tilespmem:s22+$0xFFFFFFD0]  }
0x223: {  	v14 =	vld [tilespmem:s22+$0xFFFFFFE0]  }
0x224: {  	v8 =	vld [tilespmem:s22+$0xFFFFFFF0]  }
0x225: {  	v9 =	vld.idx.msk [tilespmem:v0+s7+$0x0], $0xffff  }
0x226: {  	v0 =	vld.idx.msk [tilespmem:v1+s7+$0x0], $0xffff  }
0x227: {  	v11 =	vld.idx.msk [tilespmem:v2+s7+$0x0], $0xffff  }
0x228: {  	v12 =	vld.idx.msk [tilespmem:v3+s7+$0x0], $0xffff  }
0x229: {  	v4 =	vld.idx.msk [tilespmem:v4+s7+$0x0], $0xffff  }
0x22a: {  	v3 =	vld.idx.msk [tilespmem:v5+s7+$0x0], $0xffff  }
0x22b: {  	v2 =	vld.idx.msk [tilespmem:v6+s7+$0x0], $0xffff  }
0x22c: {  	v1 =	vld.idx.msk [tilespmem:v7+s7+$0x0], $0xffff  }
0x22d: {  	v5 =	vld [tilespmem:s22+$0x0]  }
0x22e: {  	s14 =	smul.u32 $0x2710, s12;
	s23 =	simm.s32 $0x19740;
	s15 =	simm.s32 $0x770;
	v6 =	vld [tilespmem:s22+$0x10];
	v9 =	vadd.f32 v9, v10  }
0x22f: {  	s17 =	simm.s32 $0x19E80;
	s21 =	simm.s32 $0x18E80;
	s8 =	simm.s32 $0x187C0;
	v7 =	vld [tilespmem:s22+$0x20];
	v11 =	vadd.f32 v11, v13  }
0x230: {  	s20 =	sadd.s32 s11, s14;
	s1 =	simm.s32 $0x19680;
	s24 =	simm.s32 $0x0;
	v10 =	vadd.f32 v12, v14;
	[tilespmem:s23+$0x30] =	vst v9;
	v9 =	vld [tilespmem:s22+$0xFFFFFFC0]  }
.LBB2_4:
0x231: {  	v12 =	vld [tilespmem:s8+$0x30];
	s24 =	sadd.s32 $0x80, s24;
	[tilespmem:s23+$0xFFFFFFD0] =	vst v11;
	v4 =	vadd.f32 v4, v8  }
0x232: {  	v8 =	vld [tilespmem:s8+$0xFFFFFFC0];
	p2 =	slt.u32 s24, $0x700;
	[tilespmem:s23+$0xFFFFFFE0] =	vst v10;
	v3 =	vadd.f32 v3, v5  }
0x233: {  	v5 =	vld [tilespmem:s8+$0xFFFFFFD0];
	[tilespmem:s23+$0xFFFFFFF0] =	vst v4;
	v2 =	vadd.f32 v2, v6  }
0x234: {  	v4 =	vld [tilespmem:s8+$0xFFFFFFE0];
	[tilespmem:s23+$0x0] =	vst v3;
	v1 =	vadd.f32 v1, v7  }
0x235: {  	v3 =	vld [tilespmem:s8+$0xFFFFFFF0];
	v0 =	vadd.f32 v0, v9;
	[tilespmem:s23+$0x10] =	vst v2  }
0x236: {  	v2 =	vld [tilespmem:s8+$0x0];
	[tilespmem:s23+$0x20] =	vst v1  }
0x237: {  	v1 =	vld [tilespmem:s8+$0x10];
	[tilespmem:s23+$0xFFFFFFC0] =	vst v0  }
0x238: {  	v6 =	vld [tilespmem:s8+$0x20]  }
0x239: {  	s22 =	sadd.s32 $0x80, s22;
	v7 =	vld.idx.msk [tilespmem:v12+s7+$0x0], $0xffff  }
0x23a: {  	v9 =	vld [tilespmem:s22+$0x30]  }
0x23b: {  	v0 =	vld.idx.msk [tilespmem:v8+s7+$0x0], $0xffff  }
0x23c: {  	v10 =	vld.idx.msk [tilespmem:v5+s7+$0x0], $0xffff  }
0x23d: {  	v12 =	vld.idx.msk [tilespmem:v4+s7+$0x0], $0xffff  }
0x23e: {  	v4 =	vld.idx.msk [tilespmem:v3+s7+$0x0], $0xffff  }
0x23f: {  	v3 =	vld.idx.msk [tilespmem:v2+s7+$0x0], $0xffff;
	v5 =	vadd.f32 v7, v9  }
0x240: {  	s23 =	sadd.s32 $0x80, s23;
	v2 =	vld.idx.msk [tilespmem:v1+s7+$0x0], $0xffff  }
0x241: {  	v1 =	vld.idx.msk [tilespmem:v6+s7+$0x0], $0xffff;
	[tilespmem:s23+$0x30] =	vst v5  }
0x242: {  	v7 =	vld [tilespmem:s22+$0xFFFFFFD0]  }
0x243: {  	v13 =	vld [tilespmem:s22+$0xFFFFFFE0]  }
.Ltmp15:
0x244: {  	v8 =	vld [tilespmem:s22+$0xFFFFFFF0];
	(pc) =	sbr.rel @p2 .LBB2_4-.Ltmp15, $4  }
0x245: {  	v5 =	vld [tilespmem:s22+$0x0]  }
0x246: {  	v6 =	vld [tilespmem:s22+$0x10]  }
0x247: {  	v11 =	vadd.f32 v10, v7;
	v7 =	vld [tilespmem:s22+$0x20]  }
0x248: {  	s8 =	sadd.s32 $0x80, s8;
	v9 =	vld [tilespmem:s22+$0xFFFFFFC0];
	v10 =	vadd.f32 v12, v13  }
0x249: {  	[tilespmem:s23+$0xFFFFFFD0] =	vst v11;
	v4 =	vadd.f32 v4, v8  }
0x24a: {  	[tilespmem:s23+$0xFFFFFFE0] =	vst v10;
	v3 =	vadd.f32 v3, v5  }
0x24b: {  	[tilespmem:s23+$0xFFFFFFF0] =	vst v4;
	v2 =	vadd.f32 v2, v6  }
0x24c: {  	[tilespmem:s23+$0x0] =	vst v3;
	v1 =	vadd.f32 v1, v7  }
0x24d: {  	v0 =	vadd.f32 v0, v9;
	[tilespmem:s23+$0x10] =	vst v2  }
0x24e: {  	[tilespmem:s23+$0x20] =	vst v1  }
0x24f: {  	[tilespmem:s23+$0xFFFFFFC0] =	vst v0  }
.LBB2_6:
0x250: {  	v0 =	vld [tilespmem:s21+$0x0];
	_ =	sdelay $0x6  }
0x251: {  	v1 =	vld [tilespmem:s1+$0x0]  }
0x252: {  	v0 =	vld.idx.msk [tilespmem:v0+s7+$0x0], $0xffff  }
0x253: {  	s15 =	sadd.s32 $0x10, s15  }
0x254: {  	p2 =	slt.u32 s15, $0x7C0  }
.Ltmp16:
0x255: {  	_ = 	snop;
	(pc) =	sbr.rel @p2 .LBB2_6-.Ltmp16, $3  }
0x256: {  	_ = 	snop  }
0x257: {  	v0 =	vadd.f32 v0, v1;
	_ =	sdelay $0x1  }
0x258: {  	s21 =	sadd.s32 $0x10, s21;
	s1 =	sadd.s32 $0x10, s1;
	[tilespmem:s17+$0x0] =	vst v0;
	s17 =	sadd.s32 $0x10, s17  }
0x259: {  	s1 =	sshrl.u32 s20, $0x3  }
0x25a: {  	s8 =	simm.s32 $0x19700;
	p2 =	seq.s32 s12, $0x13;
	s1 =	sadd.s32 s6, s1  }
0x25b: {  	[hbm4b:s1+s7] =	stream.linear.scatter [tilespmem:s8], [sflag:$0x3], $0x7D0, $0x38;
	[tilespmem:$0x1FF00] =	vst v63  }
0x25c: {  	s1 =	sadd.s32 @!p2 s14, s28  }
0x25d: {  	s1 =	sshrl.u32 @!p2 s1, $0x3  }
0x25e: {  	s15 =	simm.s32 @!p2 $0x0;
	s17 =	simm.s32 @!p2 $0x18700;
	s8 =	sadd.s32 @!p2 s5, s1  }
0x25f: {  	[tilespmem:s17], [sflag:$0x2] =	stream.linear.gather @!p2 [hbm4b:s8+s15], $0x7D0, $0x38;
	[tilespmem:$0x1FF00] =	vst v63  }
0x260: {  	s1 =	sadd.s32 @!p2 s2, s1;
	s8 =	simm.s32 @!p2 $0x18F00  }
0x261: {  	[tilespmem:s8], [sflag:$0x2] =	stream.linear.gather @!p2 [hbm4b:s1+s15], $0x7D0, $0x38;
	[tilespmem:$0x1FF00] =	vst v63  }
0x262: {  	_ =	swait.ge [sflag:s9], $0x7D0  }
0x263: {  	[sflag:s9] =	ssyncset.done $0x0  }
0x264: {  	[sflag:s9] =	ssyncadd.s32 $0xFFFFF830  }
0x265: {  	_ =	swait.ge [sflag:s9], $0x7D0  }
0x266: {  	[sflag:s9] =	ssyncset.done $0x0  }
0x267: {  	s1 =	simm.s32 @!p1 $0x5;
	[sflag:s9] =	ssyncadd.s32 $0xFFFFF830  }
0x268: {  	_ =	swait.ge @!p1 [sflag:s1], $0x7D0  }
0x269: {  	[sflag:s1] =	ssyncset.done @!p1 $0x0  }
0x26a: {  	s23 =	simm.s32 $0x19F40;
	[sflag:s1] =	ssyncadd.s32 @!p1 $0xFFFFF830  }
0x26b: {  	v0 =	vld [tilespmem:s23+$0x30]  }
0x26c: {  	v1 =	vld [tilespmem:s23+$0xFFFFFFC0]  }
0x26d: {  	v2 =	vld [tilespmem:s23+$0xFFFFFFD0]  }
0x26e: {  	v3 =	vld [tilespmem:s23+$0xFFFFFFE0]  }
0x26f: {  	v4 =	vld [tilespmem:s23+$0xFFFFFFF0]  }
0x270: {  	v5 =	vld [tilespmem:s23+$0x0]  }
0x271: {  	v6 =	vld [tilespmem:s23+$0x10]  }
0x272: {  	s21 =	simm.s32 $0x1A740;
	v7 =	vld [tilespmem:s23+$0x20]  }
0x273: {  	v10 =	vld [tilespmem:s21+$0x30]  }
0x274: {  	v13 =	vld [tilespmem:s21+$0xFFFFFFD0]  }
0x275: {  	v14 =	vld [tilespmem:s21+$0xFFFFFFE0]  }
0x276: {  	v9 =	vld [tilespmem:s21+$0xFFFFFFF0]  }
0x277: {  	v8 =	vld.idx.msk [tilespmem:v0+s7+$0x0], $0xffff  }
0x278: {  	v0 =	vld.idx.msk [tilespmem:v1+s7+$0x0], $0xffff  }
0x279: {  	v11 =	vld.idx.msk [tilespmem:v2+s7+$0x0], $0xffff  }
0x27a: {  	v12 =	vld.idx.msk [tilespmem:v3+s7+$0x0], $0xffff  }
0x27b: {  	v4 =	vld.idx.msk [tilespmem:v4+s7+$0x0], $0xffff  }
0x27c: {  	v3 =	vld.idx.msk [tilespmem:v5+s7+$0x0], $0xffff  }
0x27d: {  	v2 =	vld.idx.msk [tilespmem:v6+s7+$0x0], $0xffff  }
0x27e: {  	v1 =	vld.idx.msk [tilespmem:v7+s7+$0x0], $0xffff  }
0x27f: {  	v6 =	vld [tilespmem:s21+$0x0]  }
0x280: {  	s22 =	simm.s32 $0x1AF40;
	s24 =	rddreg [dreg:$0x7];
	v5 =	vld [tilespmem:s21+$0x10];
	v8 =	vadd.f32 v8, v10  }
0x281: {  	s17 =	simm.s32 $0x1A680;
	s15 =	simm.s32 $0x1B680;
	s20 =	sadd.s32 s14, s24;
	v7 =	vld [tilespmem:s21+$0x20];
	v11 =	vadd.f32 v11, v13  }
0x282: {  	s1 =	simm.s32 $0x1AE80;
	s24 =	simm.s32 $0x19FC0;
	s23 =	simm.s32 $0x0;
	v10 =	vadd.f32 v12, v14;
	[tilespmem:s22+$0x30] =	vst v8;
	v8 =	vld [tilespmem:s21+$0xFFFFFFC0]  }
.LBB2_8:
0x283: {  	v12 =	vld [tilespmem:s24+$0x30];
	s23 =	sadd.s32 $0x80, s23;
	[tilespmem:s22+$0xFFFFFFD0] =	vst v11;
	v4 =	vadd.f32 v4, v9  }
0x284: {  	v9 =	vld [tilespmem:s24+$0xFFFFFFC0];
	p3 =	slt.u32 s23, $0x700;
	[tilespmem:s22+$0xFFFFFFE0] =	vst v10;
	v3 =	vadd.f32 v3, v6  }
0x285: {  	v6 =	vld [tilespmem:s24+$0xFFFFFFD0];
	[tilespmem:s22+$0xFFFFFFF0] =	vst v4;
	v2 =	vadd.f32 v2, v5  }
0x286: {  	v4 =	vld [tilespmem:s24+$0xFFFFFFE0];
	[tilespmem:s22+$0x0] =	vst v3;
	v1 =	vadd.f32 v1, v7  }
0x287: {  	v3 =	vld [tilespmem:s24+$0xFFFFFFF0];
	v0 =	vadd.f32 v0, v8;
	[tilespmem:s22+$0x10] =	vst v2  }
0x288: {  	v2 =	vld [tilespmem:s24+$0x0];
	[tilespmem:s22+$0x20] =	vst v1  }
0x289: {  	v1 =	vld [tilespmem:s24+$0x10];
	[tilespmem:s22+$0xFFFFFFC0] =	vst v0  }
0x28a: {  	v5 =	vld [tilespmem:s24+$0x20]  }
0x28b: {  	s21 =	sadd.s32 $0x80, s21;
	v7 =	vld.idx.msk [tilespmem:v12+s7+$0x0], $0xffff  }
0x28c: {  	v8 =	vld [tilespmem:s21+$0x30]  }
0x28d: {  	v0 =	vld.idx.msk [tilespmem:v9+s7+$0x0], $0xffff  }
0x28e: {  	v10 =	vld.idx.msk [tilespmem:v6+s7+$0x0], $0xffff  }
0x28f: {  	v12 =	vld.idx.msk [tilespmem:v4+s7+$0x0], $0xffff  }
0x290: {  	v4 =	vld.idx.msk [tilespmem:v3+s7+$0x0], $0xffff  }
0x291: {  	v3 =	vld.idx.msk [tilespmem:v2+s7+$0x0], $0xffff;
	v6 =	vadd.f32 v7, v8  }
0x292: {  	s22 =	sadd.s32 $0x80, s22;
	v2 =	vld.idx.msk [tilespmem:v1+s7+$0x0], $0xffff  }
0x293: {  	s8 =	simm.s32 $0x770;
	v1 =	vld.idx.msk [tilespmem:v5+s7+$0x0], $0xffff;
	[tilespmem:s22+$0x30] =	vst v6  }
0x294: {  	v7 =	vld [tilespmem:s21+$0xFFFFFFD0]  }
0x295: {  	v13 =	vld [tilespmem:s21+$0xFFFFFFE0]  }
.Ltmp17:
0x296: {  	v9 =	vld [tilespmem:s21+$0xFFFFFFF0];
	(pc) =	sbr.rel @p3 .LBB2_8-.Ltmp17, $4  }
0x297: {  	v6 =	vld [tilespmem:s21+$0x0]  }
0x298: {  	v5 =	vld [tilespmem:s21+$0x10]  }
0x299: {  	v11 =	vadd.f32 v10, v7;
	v7 =	vld [tilespmem:s21+$0x20]  }
0x29a: {  	s24 =	sadd.s32 $0x80, s24;
	v8 =	vld [tilespmem:s21+$0xFFFFFFC0];
	v10 =	vadd.f32 v12, v13  }
0x29b: {  	[tilespmem:s22+$0xFFFFFFD0] =	vst v11;
	v4 =	vadd.f32 v4, v9  }
0x29c: {  	[tilespmem:s22+$0xFFFFFFE0] =	vst v10;
	v3 =	vadd.f32 v3, v6  }
0x29d: {  	[tilespmem:s22+$0xFFFFFFF0] =	vst v4;
	v2 =	vadd.f32 v2, v5  }
0x29e: {  	[tilespmem:s22+$0x0] =	vst v3;
	v1 =	vadd.f32 v1, v7  }
0x29f: {  	v0 =	vadd.f32 v0, v8;
	[tilespmem:s22+$0x10] =	vst v2  }
0x2a0: {  	[tilespmem:s22+$0x20] =	vst v1  }
0x2a1: {  	[tilespmem:s22+$0xFFFFFFC0] =	vst v0  }
.LBB2_10:
0x2a2: {  	v0 =	vld [tilespmem:s17+$0x0];
	_ =	sdelay $0x6  }
0x2a3: {  	v1 =	vld [tilespmem:s1+$0x0]  }
0x2a4: {  	v0 =	vld.idx.msk [tilespmem:v0+s7+$0x0], $0xffff  }
0x2a5: {  	s8 =	sadd.s32 $0x10, s8  }
0x2a6: {  	p3 =	slt.u32 s8, $0x7C0  }
.Ltmp18:
0x2a7: {  	_ = 	snop;
	(pc) =	sbr.rel @p3 .LBB2_10-.Ltmp18, $3  }
0x2a8: {  	_ = 	snop  }
0x2a9: {  	v0 =	vadd.f32 v0, v1;
	_ =	sdelay $0x1  }
0x2aa: {  	s17 =	sadd.s32 $0x10, s17;
	s1 =	sadd.s32 $0x10, s1;
	[tilespmem:s15+$0x0] =	vst v0;
	s15 =	sadd.s32 $0x10, s15  }
0x2ab: {  	s1 =	sshrl.u32 s20, $0x3  }
0x2ac: {  	s1 =	sadd.s32 s6, s1  }
0x2ad: {  	[hbm4b:s1+s7] =	stream.linear.scatter [tilespmem:s13], [sflag:$0x5], $0x7D0, $0x38;
	[tilespmem:$0x1FF00] =	vst v63  }
0x2ae: {  	s1 =	sadd.s32 @!p2 s14, s29  }
0x2af: {  	s1 =	sshrl.u32 @!p2 s1, $0x3  }
0x2b0: {  	s15 =	simm.s32 @!p2 $0x0;
	s17 =	simm.s32 @!p2 $0x19F00;
	s8 =	sadd.s32 @!p2 s5, s1  }
0x2b1: {  	[tilespmem:s17], [sflag:$0x4] =	stream.linear.gather @!p2 [hbm4b:s8+s15], $0x7D0, $0x38;
	[tilespmem:$0x1FF00] =	vst v63  }
0x2b2: {  	s1 =	sadd.s32 @!p2 s2, s1;
	s8 =	simm.s32 @!p2 $0x1A700  }
0x2b3: {  	[tilespmem:s8], [sflag:$0x4] =	stream.linear.gather @!p2 [hbm4b:s1+s15], $0x7D0, $0x38;
	[tilespmem:$0x1FF00] =	vst v63  }
0x2b4: {  	_ =	swait.ge [sflag:s16], $0x7D0  }
0x2b5: {  	[sflag:s16] =	ssyncset.done $0x0  }
0x2b6: {  	[sflag:s16] =	ssyncadd.s32 $0xFFFFF830  }
0x2b7: {  	_ =	swait.ge [sflag:s16], $0x7D0  }
0x2b8: {  	[sflag:s16] =	ssyncset.done $0x0  }
0x2b9: {  	s1 =	simm.s32 @!p1 $0x7;
	[sflag:s16] =	ssyncadd.s32 $0xFFFFF830  }
0x2ba: {  	_ =	swait.ge @!p1 [sflag:s1], $0x7D0  }
0x2bb: {  	[sflag:s1] =	ssyncset.done @!p1 $0x0  }
0x2bc: {  	s23 =	simm.s32 $0x1B740;
	[sflag:s1] =	ssyncadd.s32 @!p1 $0xFFFFF830  }
0x2bd: {  	v0 =	vld [tilespmem:s23+$0x30]  }
0x2be: {  	v1 =	vld [tilespmem:s23+$0xFFFFFFC0]  }
0x2bf: {  	v2 =	vld [tilespmem:s23+$0xFFFFFFD0]  }
0x2c0: {  	v3 =	vld [tilespmem:s23+$0xFFFFFFE0]  }
0x2c1: {  	v4 =	vld [tilespmem:s23+$0xFFFFFFF0]  }
0x2c2: {  	v5 =	vld [tilespmem:s23+$0x0]  }
0x2c3: {  	v6 =	vld [tilespmem:s23+$0x10]  }
0x2c4: {  	s21 =	simm.s32 $0x1BF40;
	v7 =	vld [tilespmem:s23+$0x20]  }
0x2c5: {  	v10 =	vld [tilespmem:s21+$0x30]  }
0x2c6: {  	v13 =	vld [tilespmem:s21+$0xFFFFFFD0]  }
0x2c7: {  	v14 =	vld [tilespmem:s21+$0xFFFFFFE0]  }
0x2c8: {  	v9 =	vld [tilespmem:s21+$0xFFFFFFF0]  }
0x2c9: {  	v8 =	vld.idx.msk [tilespmem:v0+s7+$0x0], $0xffff  }
0x2ca: {  	v0 =	vld.idx.msk [tilespmem:v1+s7+$0x0], $0xffff  }
0x2cb: {  	v11 =	vld.idx.msk [tilespmem:v2+s7+$0x0], $0xffff  }
0x2cc: {  	v12 =	vld.idx.msk [tilespmem:v3+s7+$0x0], $0xffff  }
0x2cd: {  	v4 =	vld.idx.msk [tilespmem:v4+s7+$0x0], $0xffff  }
0x2ce: {  	v3 =	vld.idx.msk [tilespmem:v5+s7+$0x0], $0xffff  }
0x2cf: {  	v2 =	vld.idx.msk [tilespmem:v6+s7+$0x0], $0xffff  }
0x2d0: {  	v1 =	vld.idx.msk [tilespmem:v7+s7+$0x0], $0xffff  }
0x2d1: {  	v6 =	vld [tilespmem:s21+$0x0]  }
0x2d2: {  	s22 =	simm.s32 $0x1C740;
	s24 =	rddreg [dreg:$0x9];
	v5 =	vld [tilespmem:s21+$0x10];
	v8 =	vadd.f32 v8, v10  }
0x2d3: {  	s17 =	simm.s32 $0x1BE80;
	s15 =	simm.s32 $0x1CE80;
	s20 =	sadd.s32 s14, s24;
	v7 =	vld [tilespmem:s21+$0x20];
	v11 =	vadd.f32 v11, v13  }
0x2d4: {  	s1 =	simm.s32 $0x1C680;
	s24 =	simm.s32 $0x1B7C0;
	s23 =	simm.s32 $0x0;
	v10 =	vadd.f32 v12, v14;
	[tilespmem:s22+$0x30] =	vst v8;
	v8 =	vld [tilespmem:s21+$0xFFFFFFC0]  }
.LBB2_12:
0x2d5: {  	v12 =	vld [tilespmem:s24+$0x30];
	s23 =	sadd.s32 $0x80, s23;
	[tilespmem:s22+$0xFFFFFFD0] =	vst v11;
	v4 =	vadd.f32 v4, v9  }
0x2d6: {  	v9 =	vld [tilespmem:s24+$0xFFFFFFC0];
	p3 =	slt.u32 s23, $0x700;
	[tilespmem:s22+$0xFFFFFFE0] =	vst v10;
	v3 =	vadd.f32 v3, v6  }
0x2d7: {  	v6 =	vld [tilespmem:s24+$0xFFFFFFD0];
	[tilespmem:s22+$0xFFFFFFF0] =	vst v4;
	v2 =	vadd.f32 v2, v5  }
0x2d8: {  	v4 =	vld [tilespmem:s24+$0xFFFFFFE0];
	[tilespmem:s22+$0x0] =	vst v3;
	v1 =	vadd.f32 v1, v7  }
0x2d9: {  	v3 =	vld [tilespmem:s24+$0xFFFFFFF0];
	v0 =	vadd.f32 v0, v8;
	[tilespmem:s22+$0x10] =	vst v2  }
0x2da: {  	v2 =	vld [tilespmem:s24+$0x0];
	[tilespmem:s22+$0x20] =	vst v1  }
0x2db: {  	v1 =	vld [tilespmem:s24+$0x10];
	[tilespmem:s22+$0xFFFFFFC0] =	vst v0  }
0x2dc: {  	v5 =	vld [tilespmem:s24+$0x20]  }
0x2dd: {  	s21 =	sadd.s32 $0x80, s21;
	v7 =	vld.idx.msk [tilespmem:v12+s7+$0x0], $0xffff  }
0x2de: {  	v8 =	vld [tilespmem:s21+$0x30]  }
0x2df: {  	v0 =	vld.idx.msk [tilespmem:v9+s7+$0x0], $0xffff  }
0x2e0: {  	v10 =	vld.idx.msk [tilespmem:v6+s7+$0x0], $0xffff  }
0x2e1: {  	v12 =	vld.idx.msk [tilespmem:v4+s7+$0x0], $0xffff  }
0x2e2: {  	v4 =	vld.idx.msk [tilespmem:v3+s7+$0x0], $0xffff  }
0x2e3: {  	v3 =	vld.idx.msk [tilespmem:v2+s7+$0x0], $0xffff;
	v6 =	vadd.f32 v7, v8  }
0x2e4: {  	s22 =	sadd.s32 $0x80, s22;
	v2 =	vld.idx.msk [tilespmem:v1+s7+$0x0], $0xffff  }
0x2e5: {  	s8 =	simm.s32 $0x770;
	v1 =	vld.idx.msk [tilespmem:v5+s7+$0x0], $0xffff;
	[tilespmem:s22+$0x30] =	vst v6  }
0x2e6: {  	v7 =	vld [tilespmem:s21+$0xFFFFFFD0]  }
0x2e7: {  	v13 =	vld [tilespmem:s21+$0xFFFFFFE0]  }
.Ltmp19:
0x2e8: {  	v9 =	vld [tilespmem:s21+$0xFFFFFFF0];
	(pc) =	sbr.rel @p3 .LBB2_12-.Ltmp19, $4  }
0x2e9: {  	v6 =	vld [tilespmem:s21+$0x0]  }
0x2ea: {  	v5 =	vld [tilespmem:s21+$0x10]  }
0x2eb: {  	v11 =	vadd.f32 v10, v7;
	v7 =	vld [tilespmem:s21+$0x20]  }
0x2ec: {  	s24 =	sadd.s32 $0x80, s24;
	v8 =	vld [tilespmem:s21+$0xFFFFFFC0];
	v10 =	vadd.f32 v12, v13  }
0x2ed: {  	[tilespmem:s22+$0xFFFFFFD0] =	vst v11;
	v4 =	vadd.f32 v4, v9  }
0x2ee: {  	[tilespmem:s22+$0xFFFFFFE0] =	vst v10;
	v3 =	vadd.f32 v3, v6  }
0x2ef: {  	[tilespmem:s22+$0xFFFFFFF0] =	vst v4;
	v2 =	vadd.f32 v2, v5  }
0x2f0: {  	[tilespmem:s22+$0x0] =	vst v3;
	v1 =	vadd.f32 v1, v7  }
0x2f1: {  	v0 =	vadd.f32 v0, v8;
	[tilespmem:s22+$0x10] =	vst v2  }
0x2f2: {  	[tilespmem:s22+$0x20] =	vst v1  }
0x2f3: {  	[tilespmem:s22+$0xFFFFFFC0] =	vst v0  }
.LBB2_14:
0x2f4: {  	v0 =	vld [tilespmem:s17+$0x0];
	_ =	sdelay $0x6  }
0x2f5: {  	v1 =	vld [tilespmem:s1+$0x0]  }
0x2f6: {  	v0 =	vld.idx.msk [tilespmem:v0+s7+$0x0], $0xffff  }
0x2f7: {  	s8 =	sadd.s32 $0x10, s8  }
0x2f8: {  	p3 =	slt.u32 s8, $0x7C0  }
.Ltmp20:
0x2f9: {  	_ = 	snop;
	(pc) =	sbr.rel @p3 .LBB2_14-.Ltmp20, $3  }
0x2fa: {  	_ = 	snop  }
0x2fb: {  	v0 =	vadd.f32 v0, v1;
	_ =	sdelay $0x1  }
0x2fc: {  	s17 =	sadd.s32 $0x10, s17;
	s1 =	sadd.s32 $0x10, s1;
	[tilespmem:s15+$0x0] =	vst v0;
	s15 =	sadd.s32 $0x10, s15  }
0x2fd: {  	s1 =	sshrl.u32 s20, $0x3  }
0x2fe: {  	s1 =	sadd.s32 s6, s1  }
0x2ff: {  	[hbm4b:s1+s7] =	stream.linear.scatter [tilespmem:s18], [sflag:$0x7], $0x7D0, $0x38;
	[tilespmem:$0x1FF00] =	vst v63  }
0x300: {  	s1 =	sadd.s32 @!p2 s14, s30  }
0x301: {  	s1 =	sshrl.u32 @!p2 s1, $0x3  }
0x302: {  	s15 =	simm.s32 @!p2 $0x0;
	s17 =	simm.s32 @!p2 $0x1B700;
	s8 =	sadd.s32 @!p2 s5, s1  }
0x303: {  	[tilespmem:s17], [sflag:$0x6] =	stream.linear.gather @!p2 [hbm4b:s8+s15], $0x7D0, $0x38;
	[tilespmem:$0x1FF00] =	vst v63  }
0x304: {  	s1 =	sadd.s32 @!p2 s2, s1;
	s8 =	simm.s32 @!p2 $0x1BF00  }
0x305: {  	[tilespmem:s8], [sflag:$0x6] =	stream.linear.gather @!p2 [hbm4b:s1+s15], $0x7D0, $0x38;
	[tilespmem:$0x1FF00] =	vst v63  }
0x306: {  	_ =	swait.ge [sflag:s25], $0x7D0  }
0x307: {  	[sflag:s25] =	ssyncset.done $0x0  }
0x308: {  	[sflag:s25] =	ssyncadd.s32 $0xFFFFF830  }
0x309: {  	_ =	swait.ge [sflag:s25], $0x7D0  }
0x30a: {  	[sflag:s25] =	ssyncset.done $0x0  }
0x30b: {  	s1 =	simm.s32 @!p1 $0x9;
	[sflag:s25] =	ssyncadd.s32 $0xFFFFF830  }
0x30c: {  	_ =	swait.ge @!p1 [sflag:s1], $0x7D0  }
0x30d: {  	[sflag:s1] =	ssyncset.done @!p1 $0x0  }
0x30e: {  	s23 =	simm.s32 $0x1CF40;
	[sflag:s1] =	ssyncadd.s32 @!p1 $0xFFFFF830  }
0x30f: {  	v0 =	vld [tilespmem:s23+$0x30]  }
0x310: {  	v1 =	vld [tilespmem:s23+$0xFFFFFFC0]  }
0x311: {  	v2 =	vld [tilespmem:s23+$0xFFFFFFD0]  }
0x312: {  	v3 =	vld [tilespmem:s23+$0xFFFFFFE0]  }
0x313: {  	v4 =	vld [tilespmem:s23+$0xFFFFFFF0]  }
0x314: {  	v5 =	vld [tilespmem:s23+$0x0]  }
0x315: {  	v6 =	vld [tilespmem:s23+$0x10]  }
0x316: {  	s21 =	simm.s32 $0x1D740;
	v7 =	vld [tilespmem:s23+$0x20]  }
0x317: {  	v10 =	vld [tilespmem:s21+$0x30]  }
0x318: {  	v13 =	vld [tilespmem:s21+$0xFFFFFFD0]  }
0x319: {  	v14 =	vld [tilespmem:s21+$0xFFFFFFE0]  }
0x31a: {  	v9 =	vld [tilespmem:s21+$0xFFFFFFF0]  }
0x31b: {  	v8 =	vld.idx.msk [tilespmem:v0+s7+$0x0], $0xffff  }
0x31c: {  	v0 =	vld.idx.msk [tilespmem:v1+s7+$0x0], $0xffff  }
0x31d: {  	v11 =	vld.idx.msk [tilespmem:v2+s7+$0x0], $0xffff  }
0x31e: {  	v12 =	vld.idx.msk [tilespmem:v3+s7+$0x0], $0xffff  }
0x31f: {  	v4 =	vld.idx.msk [tilespmem:v4+s7+$0x0], $0xffff  }
0x320: {  	v3 =	vld.idx.msk [tilespmem:v5+s7+$0x0], $0xffff  }
0x321: {  	v2 =	vld.idx.msk [tilespmem:v6+s7+$0x0], $0xffff  }
0x322: {  	v1 =	vld.idx.msk [tilespmem:v7+s7+$0x0], $0xffff  }
0x323: {  	v6 =	vld [tilespmem:s21+$0x0]  }
0x324: {  	s22 =	simm.s32 $0x1DF40;
	s24 =	rddreg [dreg:$0xb];
	v5 =	vld [tilespmem:s21+$0x10];
	v8 =	vadd.f32 v8, v10  }
0x325: {  	s17 =	simm.s32 $0x1D680;
	s15 =	simm.s32 $0x1E680;
	s20 =	sadd.s32 s14, s24;
	v7 =	vld [tilespmem:s21+$0x20];
	v11 =	vadd.f32 v11, v13  }
0x326: {  	s1 =	simm.s32 $0x1DE80;
	s24 =	simm.s32 $0x1CFC0;
	s23 =	simm.s32 $0x0;
	v10 =	vadd.f32 v12, v14;
	[tilespmem:s22+$0x30] =	vst v8;
	v8 =	vld [tilespmem:s21+$0xFFFFFFC0]  }
.LBB2_16:
0x327: {  	v12 =	vld [tilespmem:s24+$0x30];
	s23 =	sadd.s32 $0x80, s23;
	[tilespmem:s22+$0xFFFFFFD0] =	vst v11;
	v4 =	vadd.f32 v4, v9  }
0x328: {  	v9 =	vld [tilespmem:s24+$0xFFFFFFC0];
	p3 =	slt.u32 s23, $0x700;
	[tilespmem:s22+$0xFFFFFFE0] =	vst v10;
	v3 =	vadd.f32 v3, v6  }
0x329: {  	v6 =	vld [tilespmem:s24+$0xFFFFFFD0];
	[tilespmem:s22+$0xFFFFFFF0] =	vst v4;
	v2 =	vadd.f32 v2, v5  }
0x32a: {  	v4 =	vld [tilespmem:s24+$0xFFFFFFE0];
	[tilespmem:s22+$0x0] =	vst v3;
	v1 =	vadd.f32 v1, v7  }
0x32b: {  	v3 =	vld [tilespmem:s24+$0xFFFFFFF0];
	v0 =	vadd.f32 v0, v8;
	[tilespmem:s22+$0x10] =	vst v2  }
0x32c: {  	v2 =	vld [tilespmem:s24+$0x0];
	[tilespmem:s22+$0x20] =	vst v1  }
0x32d: {  	v1 =	vld [tilespmem:s24+$0x10];
	[tilespmem:s22+$0xFFFFFFC0] =	vst v0  }
0x32e: {  	v5 =	vld [tilespmem:s24+$0x20]  }
0x32f: {  	s21 =	sadd.s32 $0x80, s21;
	v7 =	vld.idx.msk [tilespmem:v12+s7+$0x0], $0xffff  }
0x330: {  	v8 =	vld [tilespmem:s21+$0x30]  }
0x331: {  	v0 =	vld.idx.msk [tilespmem:v9+s7+$0x0], $0xffff  }
0x332: {  	v10 =	vld.idx.msk [tilespmem:v6+s7+$0x0], $0xffff  }
0x333: {  	v12 =	vld.idx.msk [tilespmem:v4+s7+$0x0], $0xffff  }
0x334: {  	v4 =	vld.idx.msk [tilespmem:v3+s7+$0x0], $0xffff  }
0x335: {  	v3 =	vld.idx.msk [tilespmem:v2+s7+$0x0], $0xffff;
	v6 =	vadd.f32 v7, v8  }
0x336: {  	s22 =	sadd.s32 $0x80, s22;
	v2 =	vld.idx.msk [tilespmem:v1+s7+$0x0], $0xffff  }
0x337: {  	s8 =	simm.s32 $0x770;
	v1 =	vld.idx.msk [tilespmem:v5+s7+$0x0], $0xffff;
	[tilespmem:s22+$0x30] =	vst v6  }
0x338: {  	v7 =	vld [tilespmem:s21+$0xFFFFFFD0]  }
0x339: {  	v13 =	vld [tilespmem:s21+$0xFFFFFFE0]  }
.Ltmp21:
0x33a: {  	v9 =	vld [tilespmem:s21+$0xFFFFFFF0];
	(pc) =	sbr.rel @p3 .LBB2_16-.Ltmp21, $4  }
0x33b: {  	v6 =	vld [tilespmem:s21+$0x0]  }
0x33c: {  	v5 =	vld [tilespmem:s21+$0x10]  }
0x33d: {  	v11 =	vadd.f32 v10, v7;
	v7 =	vld [tilespmem:s21+$0x20]  }
0x33e: {  	s24 =	sadd.s32 $0x80, s24;
	v8 =	vld [tilespmem:s21+$0xFFFFFFC0];
	v10 =	vadd.f32 v12, v13  }
0x33f: {  	[tilespmem:s22+$0xFFFFFFD0] =	vst v11;
	v4 =	vadd.f32 v4, v9  }
0x340: {  	[tilespmem:s22+$0xFFFFFFE0] =	vst v10;
	v3 =	vadd.f32 v3, v6  }
0x341: {  	[tilespmem:s22+$0xFFFFFFF0] =	vst v4;
	v2 =	vadd.f32 v2, v5  }
0x342: {  	[tilespmem:s22+$0x0] =	vst v3;
	v1 =	vadd.f32 v1, v7  }
0x343: {  	v0 =	vadd.f32 v0, v8;
	[tilespmem:s22+$0x10] =	vst v2  }
0x344: {  	[tilespmem:s22+$0x20] =	vst v1  }
0x345: {  	[tilespmem:s22+$0xFFFFFFC0] =	vst v0  }
.LBB2_18:
0x346: {  	v0 =	vld [tilespmem:s17+$0x0];
	_ =	sdelay $0x6  }
0x347: {  	v1 =	vld [tilespmem:s1+$0x0]  }
0x348: {  	v0 =	vld.idx.msk [tilespmem:v0+s7+$0x0], $0xffff  }
0x349: {  	s8 =	sadd.s32 $0x10, s8  }
0x34a: {  	p3 =	slt.u32 s8, $0x7C0  }
.Ltmp22:
0x34b: {  	_ = 	snop;
	(pc) =	sbr.rel @p3 .LBB2_18-.Ltmp22, $3  }
0x34c: {  	_ = 	snop  }
0x34d: {  	v0 =	vadd.f32 v0, v1;
	_ =	sdelay $0x1  }
0x34e: {  	s17 =	sadd.s32 $0x10, s17;
	s1 =	sadd.s32 $0x10, s1;
	[tilespmem:s15+$0x0] =	vst v0;
	s15 =	sadd.s32 $0x10, s15  }
0x34f: {  	s1 =	sshrl.u32 s20, $0x3  }
0x350: {  	s1 =	sadd.s32 s6, s1  }
0x351: {  	[hbm4b:s1+s7] =	stream.linear.scatter [tilespmem:s19], [sflag:$0x9], $0x7D0, $0x38;
	[tilespmem:$0x1FF00] =	vst v63  }
0x352: {  	s1 =	sadd.s32 @!p2 s14, s31  }
0x353: {  	s1 =	sshrl.u32 @!p2 s1, $0x3  }
0x354: {  	s15 =	simm.s32 @!p2 $0x0;
	s17 =	simm.s32 @!p2 $0x1CF00;
	s8 =	sadd.s32 @!p2 s5, s1  }
0x355: {  	[tilespmem:s17], [sflag:$0x8] =	stream.linear.gather @!p2 [hbm4b:s8+s15], $0x7D0, $0x38;
	[tilespmem:$0x1FF00] =	vst v63  }
0x356: {  	s1 =	sadd.s32 @!p2 s2, s1;
	s8 =	simm.s32 @!p2 $0x1D700  }
0x357: {  	[tilespmem:s8], [sflag:$0x8] =	stream.linear.gather @!p2 [hbm4b:s1+s15], $0x7D0, $0x38;
	[tilespmem:$0x1FF00] =	vst v63  }
0x358: {  	_ =	swait.ge [sflag:s26], $0x7D0  }
0x359: {  	[sflag:s26] =	ssyncset.done $0x0  }
0x35a: {  	[sflag:s26] =	ssyncadd.s32 $0xFFFFF830  }
0x35b: {  	_ =	swait.ge [sflag:s26], $0x7D0  }
0x35c: {  	[sflag:s26] =	ssyncset.done $0x0  }
0x35d: {  	s1 =	simm.s32 @!p1 $0xB;
	[sflag:s26] =	ssyncadd.s32 $0xFFFFF830  }
0x35e: {  	_ =	swait.ge @!p1 [sflag:s1], $0x7D0  }
0x35f: {  	[sflag:s1] =	ssyncset.done @!p1 $0x0  }
0x360: {  	s23 =	simm.s32 $0x1E740;
	[sflag:s1] =	ssyncadd.s32 @!p1 $0xFFFFF830  }
0x361: {  	v0 =	vld [tilespmem:s23+$0x30]  }
0x362: {  	v1 =	vld [tilespmem:s23+$0xFFFFFFC0]  }
0x363: {  	v2 =	vld [tilespmem:s23+$0xFFFFFFD0]  }
0x364: {  	v3 =	vld [tilespmem:s23+$0xFFFFFFE0]  }
0x365: {  	v4 =	vld [tilespmem:s23+$0xFFFFFFF0]  }
0x366: {  	v5 =	vld [tilespmem:s23+$0x0]  }
0x367: {  	v6 =	vld [tilespmem:s23+$0x10]  }
0x368: {  	s21 =	simm.s32 $0x1EF40;
	v7 =	vld [tilespmem:s23+$0x20]  }
0x369: {  	v10 =	vld [tilespmem:s21+$0x30]  }
0x36a: {  	v13 =	vld [tilespmem:s21+$0xFFFFFFD0]  }
0x36b: {  	v14 =	vld [tilespmem:s21+$0xFFFFFFE0]  }
0x36c: {  	v9 =	vld [tilespmem:s21+$0xFFFFFFF0]  }
0x36d: {  	v8 =	vld.idx.msk [tilespmem:v0+s7+$0x0], $0xffff  }
0x36e: {  	v0 =	vld.idx.msk [tilespmem:v1+s7+$0x0], $0xffff  }
0x36f: {  	v11 =	vld.idx.msk [tilespmem:v2+s7+$0x0], $0xffff  }
0x370: {  	v12 =	vld.idx.msk [tilespmem:v3+s7+$0x0], $0xffff  }
0x371: {  	v4 =	vld.idx.msk [tilespmem:v4+s7+$0x0], $0xffff  }
0x372: {  	v3 =	vld.idx.msk [tilespmem:v5+s7+$0x0], $0xffff  }
0x373: {  	v2 =	vld.idx.msk [tilespmem:v6+s7+$0x0], $0xffff  }
0x374: {  	v1 =	vld.idx.msk [tilespmem:v7+s7+$0x0], $0xffff  }
0x375: {  	v6 =	vld [tilespmem:s21+$0x0]  }
0x376: {  	s22 =	simm.s32 $0x1F740;
	s24 =	rddreg [dreg:$0x11];
	v5 =	vld [tilespmem:s21+$0x10];
	v8 =	vadd.f32 v8, v10  }
0x377: {  	s17 =	simm.s32 $0x1EE80;
	s15 =	simm.s32 $0x1FE80;
	s20 =	sadd.s32 s14, s24;
	v7 =	vld [tilespmem:s21+$0x20];
	v11 =	vadd.f32 v11, v13  }
0x378: {  	s1 =	simm.s32 $0x1F680;
	s24 =	simm.s32 $0x1E7C0;
	s23 =	simm.s32 $0x0;
	v10 =	vadd.f32 v12, v14;
	[tilespmem:s22+$0x30] =	vst v8;
	v8 =	vld [tilespmem:s21+$0xFFFFFFC0]  }
.LBB2_20:
0x379: {  	v12 =	vld [tilespmem:s24+$0x30];
	s23 =	sadd.s32 $0x80, s23;
	[tilespmem:s22+$0xFFFFFFD0] =	vst v11;
	v4 =	vadd.f32 v4, v9  }
0x37a: {  	v9 =	vld [tilespmem:s24+$0xFFFFFFC0];
	p1 =	slt.u32 s23, $0x700;
	[tilespmem:s22+$0xFFFFFFE0] =	vst v10;
	v3 =	vadd.f32 v3, v6  }
0x37b: {  	v6 =	vld [tilespmem:s24+$0xFFFFFFD0];
	[tilespmem:s22+$0xFFFFFFF0] =	vst v4;
	v2 =	vadd.f32 v2, v5  }
0x37c: {  	v4 =	vld [tilespmem:s24+$0xFFFFFFE0];
	[tilespmem:s22+$0x0] =	vst v3;
	v1 =	vadd.f32 v1, v7  }
0x37d: {  	v3 =	vld [tilespmem:s24+$0xFFFFFFF0];
	v0 =	vadd.f32 v0, v8;
	[tilespmem:s22+$0x10] =	vst v2  }
0x37e: {  	v2 =	vld [tilespmem:s24+$0x0];
	[tilespmem:s22+$0x20] =	vst v1  }
0x37f: {  	v1 =	vld [tilespmem:s24+$0x10];
	[tilespmem:s22+$0xFFFFFFC0] =	vst v0  }
0x380: {  	v5 =	vld [tilespmem:s24+$0x20]  }
0x381: {  	s21 =	sadd.s32 $0x80, s21;
	v7 =	vld.idx.msk [tilespmem:v12+s7+$0x0], $0xffff  }
0x382: {  	v8 =	vld [tilespmem:s21+$0x30]  }
0x383: {  	v0 =	vld.idx.msk [tilespmem:v9+s7+$0x0], $0xffff  }
0x384: {  	v10 =	vld.idx.msk [tilespmem:v6+s7+$0x0], $0xffff  }
0x385: {  	v12 =	vld.idx.msk [tilespmem:v4+s7+$0x0], $0xffff  }
0x386: {  	v4 =	vld.idx.msk [tilespmem:v3+s7+$0x0], $0xffff  }
0x387: {  	v3 =	vld.idx.msk [tilespmem:v2+s7+$0x0], $0xffff;
	v6 =	vadd.f32 v7, v8  }
0x388: {  	s22 =	sadd.s32 $0x80, s22;
	v2 =	vld.idx.msk [tilespmem:v1+s7+$0x0], $0xffff  }
0x389: {  	s8 =	simm.s32 $0x770;
	v1 =	vld.idx.msk [tilespmem:v5+s7+$0x0], $0xffff;
	[tilespmem:s22+$0x30] =	vst v6  }
0x38a: {  	v7 =	vld [tilespmem:s21+$0xFFFFFFD0]  }
0x38b: {  	v13 =	vld [tilespmem:s21+$0xFFFFFFE0]  }
.Ltmp23:
0x38c: {  	v9 =	vld [tilespmem:s21+$0xFFFFFFF0];
	(pc) =	sbr.rel @p1 .LBB2_20-.Ltmp23, $4  }
0x38d: {  	v6 =	vld [tilespmem:s21+$0x0]  }
0x38e: {  	v5 =	vld [tilespmem:s21+$0x10]  }
0x38f: {  	v11 =	vadd.f32 v10, v7;
	v7 =	vld [tilespmem:s21+$0x20]  }
0x390: {  	s24 =	sadd.s32 $0x80, s24;
	v8 =	vld [tilespmem:s21+$0xFFFFFFC0];
	v10 =	vadd.f32 v12, v13  }
0x391: {  	[tilespmem:s22+$0xFFFFFFD0] =	vst v11;
	v4 =	vadd.f32 v4, v9  }
0x392: {  	[tilespmem:s22+$0xFFFFFFE0] =	vst v10;
	v3 =	vadd.f32 v3, v6  }
0x393: {  	[tilespmem:s22+$0xFFFFFFF0] =	vst v4;
	v2 =	vadd.f32 v2, v5  }
0x394: {  	[tilespmem:s22+$0x0] =	vst v3;
	v1 =	vadd.f32 v1, v7  }
0x395: {  	v0 =	vadd.f32 v0, v8;
	[tilespmem:s22+$0x10] =	vst v2  }
0x396: {  	[tilespmem:s22+$0x20] =	vst v1  }
0x397: {  	[tilespmem:s22+$0xFFFFFFC0] =	vst v0  }
.LBB2_22:
0x398: {  	v0 =	vld [tilespmem:s17+$0x0];
	_ =	sdelay $0x6  }
0x399: {  	v1 =	vld [tilespmem:s1+$0x0]  }
0x39a: {  	v0 =	vld.idx.msk [tilespmem:v0+s7+$0x0], $0xffff  }
0x39b: {  	s8 =	sadd.s32 $0x10, s8  }
0x39c: {  	p1 =	slt.u32 s8, $0x7C0  }
.Ltmp24:
0x39d: {  	_ = 	snop;
	(pc) =	sbr.rel @p1 .LBB2_22-.Ltmp24, $3  }
0x39e: {  	_ = 	snop  }
0x39f: {  	v0 =	vadd.f32 v0, v1;
	_ =	sdelay $0x1  }
0x3a0: {  	s17 =	sadd.s32 $0x10, s17;
	s1 =	sadd.s32 $0x10, s1;
	[tilespmem:s15+$0x0] =	vst v0;
	s15 =	sadd.s32 $0x10, s15  }
.Ltmp25:
0x3a1: {  	(pc) =	sbr.rel @p2 .LBB2_48-.Ltmp25, $4  }
0x3a2: {  	_ = 	snop  }
0x3a3: {  	s1 =	sshrl.u32 s20, $0x3  }
0x3a4: {  	s24 =	simm.s32 $0x1E700;
	s1 =	sadd.s32 s6, s1  }
0x3a5: {  	[hbm4b:s1+s7] =	stream.linear.scatter [tilespmem:s10], [sflag:$0xB], $0x7D0, $0x38;
	[tilespmem:$0x1FF00] =	vst v63  }
0x3a6: {  	s1 =	sadd.s32 s14, s0  }
.Ltmp26:
0x3a7: {  	s1 =	sshrl.u32 s1, $0x3;
	(pc) =	sbr.rel .LBB2_3-.Ltmp26, $4  }
0x3a8: {  	s8 =	sadd.s32 s5, s1  }
0x3a9: {  	[tilespmem:s24], [sflag:$0xA] =	stream.linear.gather [hbm4b:s8+s7], $0x7D0, $0x38;
	[tilespmem:$0x1FF00] =	vst v63  }
0x3aa: {  	s12 =	sadd.s32 $0x1, s12;
	s1 =	sadd.s32 s2, s1;
	s24 =	simm.s32 $0x1EF00  }
0x3ab: {  	[tilespmem:s24], [sflag:$0xA] =	stream.linear.gather [hbm4b:s1+s7], $0x7D0, $0x38;
	[tilespmem:$0x1FF00] =	vst v63  }
.LBB2_49:
0x3ac: {  	_ =	sfence.sel $0x180000  }
0x3ad: {  	[bflag:$0x0] =	sbarrier.arrive $0xFFFF  }
0x3ae: {  	_ =	strace $0x90000047  }
0x3af: {  	s0 =	stileid.u32;
	[bflag:$0x2] =	sbarrier.arrive $0xFFFF  }
0x3b0: {  	p0 =	sne.s32 s0, $0x0;
	s0 =	rddreg [dreg:$0x5]  }
0x3b1: {  	s0 =	sadd.s32 @!p0 $0x100000, s0  }
0x3b2: {  	[sflag:s0] =	ssyncadd.tile.s32 @!p0 $0x1;
	_ =	shalt  }
.Lfunc_end2:
_tile_overlayer_lowered:
.L_overlay_start_2:
0x3b3: {  	(tag) =	ssettag $0x2  }
0x3b4: {  	s0 =	rddreg [dreg:$0x0];
	s2 =	stileid.u32  }
0x3b5: {  	s1 =	rddreg [dreg:$0x1];
	p0 =	sne.s32 s2, $0x0  }
0x3b6: {  	s3 =	rddreg [dreg:$0x2];
	[bflag:$0x3] =	sbarrier.arrive $0xFFFF;
	s2 =	simm.s32 @!p0 $0x1C0C  }
0x3b7: {  	[timem:s3], [sflag:s2] =	dma.local @!p0 [hbm:s0], s1  }
0x3b8: {  	s0 =	simm.s32 @!p0 $0xC  }
0x3b9: {  	_ =	swait.ge @!p0 [sflag:s0], s1  }
0x3ba: {  	s1 =	ssub.s32 @!p0 $0x0, s1;
	[sflag:s0] =	ssyncset.done @!p0 $0x0  }
0x3bb: {  	[sflag:s0] =	ssyncadd.s32 @!p0 s1  }
0x3bc: {  	[bflag:$0x3] =	sbarrier.arrive $0xFFFF  }
0x3bd: {  	_ =	shalt  }

</sc_bundles>
